<compile_context>
chip_gen: v7x
topology: tpu7x:2x2x1
jax: 0.10.2.dev20260603
libtpu: 0.0.44.dev20260713+nightly
codegen_flags: <defaults>
</compile_context>

<pallas_src>
import functools

import jax
import jax.numpy as jnp
from jax import lax
from jax.experimental import pallas as pl
from jax.experimental.pallas import tpu as pltpu
from jax.experimental.pallas import tpu_sc as plsc


def _make_gather(n_b: int, n_h: int, d: int, bpc: int):
    info = plsc.get_sparse_core_info()
    nw = info.num_cores * info.num_subcores
    lanes = info.num_lanes
    assert bpc == lanes and d % lanes == 0
    assert n_b % nw == 0
    b_per_w = n_b // nw
    assert b_per_w % bpc == 0
    m = b_per_w // bpc
    assert m % 2 == 0
    chunk = bpc * n_h
    bpad = bpc + 1

    mesh = plsc.VectorSubcoreMesh(core_axis_name="c", subcore_axis_name="s")

    @functools.partial(
        pl.kernel,
        out_type=jax.ShapeDtypeStruct((n_h * d, n_b), jnp.float32),
        mesh=mesh,
        scratch_types=[
            pltpu.VMEM((2, chunk), jnp.int32),
            pltpu.VMEM((2, chunk, d), jnp.float32),
            pltpu.VMEM((2, n_h * d, bpad), jnp.float32),
        ]
        + [pltpu.SemaphoreType.DMA] * 6,
        compiler_params=pltpu.CompilerParams(
            use_tc_tiling_on_sc=False, needs_layout_passes=False
        ),
    )
    def gather_kernel(idx_hbm, table_hbm, out_hbm, idx_v, rows_v, tp_v, *sems):
        gsem = sems[:2]
        ssem = sems[2:4]
        isem = sems[4:]
        wid = lax.axis_index("s") * info.num_cores + lax.axis_index("c")
        base_b = wid * b_per_w

        def idx_copy(ci, slot):
            off = pl.multiple_of((base_b + ci * bpc) * n_h, 8)
            return pltpu.make_async_copy(
                idx_hbm.at[pl.ds(off, chunk)], idx_v.at[slot], isem[slot]
            )

        def gather_copy(slot):
            return pltpu.make_async_copy(
                table_hbm.at[idx_v.at[slot]], rows_v.at[slot], gsem[slot]
            )

        def store_copy(ci, slot):
            boff = pl.multiple_of(base_b + ci * bpc, 8)
            return pltpu.make_async_copy(
                tp_v.at[slot, :, pl.ds(0, bpc)],
                out_hbm.at[:, pl.ds(boff, bpc)],
                ssem[slot],
            )

        lane = lax.iota(jnp.int32, lanes)

        def transpose_chunk(slot):
            src = rows_v.at[slot]
            dst = tp_v.at[slot]

            def r_body(r, carry):
                b = r // n_h
                h = r - b * n_h
                hcv = jnp.full((lanes,), h * d, jnp.int32) + lane
                bv = jnp.full((lanes,), b, jnp.int32)
                for k in range(d // lanes):
                    vec = src[r, pl.ds(k * lanes, lanes)]
                    plsc.store_scatter(dst, [hcv + k * lanes, bv], vec)
                return carry

            lax.fori_loop(0, chunk, r_body, 0)

        idx_copy(0, 0).start()
        idx_copy(1, 1).start()
        idx_copy(0, 0).wait()
        gather_copy(0).start()
        idx_copy(1, 1).wait()
        gather_copy(1).start()

        def outer_body(o, carry):
            for slot in range(2):
                i = o * 2 + slot
                gather_copy(slot).wait()

                @pl.when(i + 2 < m)
                def _():
                    idx_copy(i + 2, slot).start()

                @pl.when(o > 0)
                def _():
                    store_copy(i - 2, slot).wait()

                transpose_chunk(slot)

                @pl.when(i + 2 < m)
                def _():
                    idx_copy(i + 2, slot).wait()
                    gather_copy(slot).start()

                store_copy(i, slot).start()
            return carry

        lax.fori_loop(0, m // 2, outer_body, 0)
        store_copy(m - 2, 0).wait()
        store_copy(m - 1, 1).wait()

    return gather_kernel


def kernel(in_feat, table):
    b, h = in_feat.shape
    v, d = table.shape
    idx = in_feat.reshape(b * h).astype(jnp.int32)
    out = _make_gather(b, h, d, bpc=16)(idx, table)
    return jnp.transpose(out.reshape(h, d, b), (2, 0, 1))

# --- scband reference (transcript-rebuilt; emitter-appended) ---
"""Pipeline reference for scband-node2vec-84121229459798 (READ-ONLY COPY).

The authoritative reference and input builder live on the scoring server;
editing this copy changes nothing except your own understanding.
"""

import jax, jax.numpy as jnp
import numpy as np

VOCAB = 1000000
EMBED_DIM = 32
BATCH = 16384
HIST = 50

def setup_inputs(seed: int = 0) -> dict:
    key = jax.random.key(seed)
    k_idx, k_tab = jax.random.split(key)
    in_feat = jax.random.randint(k_idx, (BATCH, HIST), 0, VOCAB, dtype=jnp.int64 if jax.config.jax_enable_x64 else jnp.int32)
    # Embedding table initialized like torch.nn.Embedding (N(0,1))
    table = jax.random.normal(k_tab, (VOCAB, EMBED_DIM), dtype=jnp.float32)
    return {"in_feat": in_feat, "table": table}

def reference(in_feat, table):
    # Node2vec.forward: h = self.embed(in_feat)
    h = jnp.take(table, in_feat, axis=0)
    return h

if __name__ == "__main__":
    import jax
    _d = setup_inputs()
    print(jax.jit(kernel)(*tuple(_d.values())))

</pallas_src>

<mosaic_0001>
#map = affine_map<(d0, d1) -> (0)>
#map1 = affine_map<(d0, d1) -> (0, 0)>
module attributes {stable_mosaic.version = 14 : i64} {
  func.func @gather_kernel(%arg0: i32, %arg1: i32, %arg2: memref<819200xi32, #tpu.memory_space<hbm>>, %arg3: memref<1000000x32xf32, #tpu.memory_space<hbm>>, %arg4: memref<1600x16384xf32, #tpu.memory_space<hbm>>, %arg5: memref<2x800xi32, #tpu.memory_space<vmem>>, %arg6: memref<2x800x32xf32, #tpu.memory_space<vmem>>, %arg7: memref<2x1600x17xf32, #tpu.memory_space<vmem>>, %arg8: memref<!tpu.dma_semaphore, #tpu.memory_space<semaphore_mem>>, %arg9: memref<!tpu.dma_semaphore, #tpu.memory_space<semaphore_mem>>, %arg10: memref<!tpu.dma_semaphore, #tpu.memory_space<semaphore_mem>>, %arg11: memref<!tpu.dma_semaphore, #tpu.memory_space<semaphore_mem>>, %arg12: memref<!tpu.dma_semaphore, #tpu.memory_space<semaphore_mem>>, %arg13: memref<!tpu.dma_semaphore, #tpu.memory_space<semaphore_mem>>) attributes {dimension_semantics = [#tpu.dimension_semantics<core_parallel>, #tpu.dimension_semantics<subcore_parallel>], iteration_bounds = array<i64: 2, 16>, scalar_prefetch = 0 : i64, scratch_operands = 9 : i64, tpu.core_type = #tpu.core_type<sc_vector_subcore>, window_params = [{transform_indices = #map}, {transform_indices = #map1}, {transform_indices = #map1}]} {
    %mul3A = arith.constant 2 : i32
    %mul3A_0 = arith.muli %arg1, %mul3A : i32
    %add3A = arith.addi %mul3A_0, %arg0 : i32
    %mul3A_1 = arith.constant 512 : i32
    %mul3A_2 = arith.muli %add3A, %mul3A_1 : i32
    %iota3A = tpu.iota {dimensions = array<i32: 0>} : vector<16xi32>
    %add3A_3 = arith.constant 0 : i32
    %add3A_4 = arith.addi %mul3A_2, %add3A_3 : i32
    %mul3A_5 = arith.constant 50 : i32
    %mul3A_6 = arith.muli %add3A_4, %mul3A_5 : i32
    %multiple_of3A = tpu.assume_multiple %mul3A_6, 8 : i32
    %dma_start3A = arith.constant 0 : i32
    %dma_start3A_7 = arith.constant 0 : i32
    %dma_start3A_8 = tpu.memref_slice %arg5[%dma_start3A, %dma_start3A_7] : memref<2x800xi32, #tpu.memory_space<vmem>> -> memref<1x800xi32, #tpu.memory_space<vmem>>
    %dma_start3A_9 = tpu.memref_squeeze %dma_start3A_8 : memref<1x800xi32, #tpu.memory_space<vmem>> -> memref<800xi32, #tpu.memory_space<vmem>>
    %dma_start3A_10 = tpu.memref_slice %arg2[%multiple_of3A] : memref<819200xi32, #tpu.memory_space<hbm>> -> memref<800xi32, #tpu.memory_space<hbm>>
    %dma_start3A_11 = arith.constant 0 : i32
    %dma_start3A_12 = tpu.memref_slice %arg5[%dma_start3A, %dma_start3A_11] : memref<2x800xi32, #tpu.memory_space<vmem>> -> memref<1x800xi32, #tpu.memory_space<vmem>>
    %dma_start3A_13 = tpu.memref_squeeze %dma_start3A_12 : memref<1x800xi32, #tpu.memory_space<vmem>> -> memref<800xi32, #tpu.memory_space<vmem>>
    %dma_start3A_14 = tpu.memref_slice %arg2[%multiple_of3A] : memref<819200xi32, #tpu.memory_space<hbm>> -> memref<800xi32, #tpu.memory_space<hbm>>
    tpu.enqueue_dma source(%dma_start3A_14 : memref<800xi32, #tpu.memory_space<hbm>>) target(%dma_start3A_13 : memref<800xi32, #tpu.memory_space<vmem>>) target_semaphore(%arg12 : memref<!tpu.dma_semaphore, #tpu.memory_space<semaphore_mem>>)
    %add3A_15 = arith.constant 16 : i32
    %add3A_16 = arith.addi %mul3A_2, %add3A_15 : i32
    %mul3A_17 = arith.constant 50 : i32
    %mul3A_18 = arith.muli %add3A_16, %mul3A_17 : i32
    %multiple_of3A_19 = tpu.assume_multiple %mul3A_18, 8 : i32
    %dma_start3A_20 = arith.constant 1 : i32
    %dma_start3A_21 = arith.constant 0 : i32
    %dma_start3A_22 = tpu.memref_slice %arg5[%dma_start3A_20, %dma_start3A_21] : memref<2x800xi32, #tpu.memory_space<vmem>> -> memref<1x800xi32, #tpu.memory_space<vmem>>
    %dma_start3A_23 = tpu.memref_squeeze %dma_start3A_22 : memref<1x800xi32, #tpu.memory_space<vmem>> -> memref<800xi32, #tpu.memory_space<vmem>>
    %dma_start3A_24 = tpu.memref_slice %arg2[%multiple_of3A_19] : memref<819200xi32, #tpu.memory_space<hbm>> -> memref<800xi32, #tpu.memory_space<hbm>>
    %dma_start3A_25 = arith.constant 0 : i32
    %dma_start3A_26 = tpu.memref_slice %arg5[%dma_start3A_20, %dma_start3A_25] : memref<2x800xi32, #tpu.memory_space<vmem>> -> memref<1x800xi32, #tpu.memory_space<vmem>>
    %dma_start3A_27 = tpu.memref_squeeze %dma_start3A_26 : memref<1x800xi32, #tpu.memory_space<vmem>> -> memref<800xi32, #tpu.memory_space<vmem>>
    %dma_start3A_28 = tpu.memref_slice %arg2[%multiple_of3A_19] : memref<819200xi32, #tpu.memory_space<hbm>> -> memref<800xi32, #tpu.memory_space<hbm>>
    tpu.enqueue_dma source(%dma_start3A_28 : memref<800xi32, #tpu.memory_space<hbm>>) target(%dma_start3A_27 : memref<800xi32, #tpu.memory_space<vmem>>) target_semaphore(%arg13 : memref<!tpu.dma_semaphore, #tpu.memory_space<semaphore_mem>>)
    %add3A_29 = arith.constant 0 : i32
    %add3A_30 = arith.addi %mul3A_2, %add3A_29 : i32
    %mul3A_31 = arith.constant 50 : i32
    %mul3A_32 = arith.muli %add3A_30, %mul3A_31 : i32
    %multiple_of3A_33 = tpu.assume_multiple %mul3A_32, 8 : i32
    %dma_wait3A = arith.constant 0 : i32
    %dma_wait3A_34 = arith.constant 0 : i32
    %dma_wait3A_35 = tpu.memref_slice %arg5[%dma_wait3A, %dma_wait3A_34] : memref<2x800xi32, #tpu.memory_space<vmem>> -> memref<1x800xi32, #tpu.memory_space<vmem>>
    %dma_wait3A_36 = tpu.memref_squeeze %dma_wait3A_35 : memref<1x800xi32, #tpu.memory_space<vmem>> -> memref<800xi32, #tpu.memory_space<vmem>>
    %dma_wait3A_37 = tpu.memref_slice %arg2[%multiple_of3A_33] : memref<819200xi32, #tpu.memory_space<hbm>> -> memref<800xi32, #tpu.memory_space<hbm>>
    %dma_wait3A_38 = arith.constant 0 : i32
    %dma_wait3A_39 = tpu.memref_slice %arg5[%dma_wait3A, %dma_wait3A_38] : memref<2x800xi32, #tpu.memory_space<vmem>> -> memref<1x800xi32, #tpu.memory_space<vmem>>
    %dma_wait3A_40 = tpu.memref_squeeze %dma_wait3A_39 : memref<1x800xi32, #tpu.memory_space<vmem>> -> memref<800xi32, #tpu.memory_space<vmem>>
    %dma_wait3A_41 = tpu.memref_slice %arg2[%multiple_of3A_33] : memref<819200xi32, #tpu.memory_space<hbm>> -> memref<800xi32, #tpu.memory_space<hbm>>
    tpu.wait_dma2 semaphore(%arg12 : memref<!tpu.dma_semaphore, #tpu.memory_space<semaphore_mem>>) src(%dma_wait3A_41 : memref<800xi32, #tpu.memory_space<hbm>>) dst(%dma_wait3A_40 : memref<800xi32, #tpu.memory_space<vmem>>)
    %dma_start3A_42 = arith.constant 0 : i32
    %dma_start3A_43 = arith.constant 0 : i32
    %dma_start3A_44 = arith.constant 0 : i32
    %dma_start3A_45 = arith.constant 0 : i32
    %dma_start3A_46 = tpu.memref_slice %arg6[%dma_start3A_43, %dma_start3A_44, %dma_start3A_45] : memref<2x800x32xf32, #tpu.memory_space<vmem>> -> memref<1x800x32xf32, #tpu.memory_space<vmem>>
    %dma_start3A_47 = tpu.memref_squeeze %dma_start3A_46 : memref<1x800x32xf32, #tpu.memory_space<vmem>> -> memref<800x32xf32, #tpu.memory_space<vmem>>
    %dma_start3A_48 = arith.constant 0 : i32
    %dma_start3A_49 = tpu.memref_slice %arg5[%dma_start3A_42, %dma_start3A_48] : memref<2x800xi32, #tpu.memory_space<vmem>> -> memref<1x800xi32, #tpu.memory_space<vmem>>
    %dma_start3A_50 = tpu.memref_squeeze %dma_start3A_49 : memref<1x800xi32, #tpu.memory_space<vmem>> -> memref<800xi32, #tpu.memory_space<vmem>>
    %dma_start3A_51 = arith.constant 0 : i32
    %dma_start3A_52 = arith.constant 0 : i32
    %dma_start3A_53 = tpu.memref_slice %arg3[%dma_start3A_51, %dma_start3A_52] : memref<1000000x32xf32, #tpu.memory_space<hbm>> -> memref<1000000x32xf32, #tpu.memory_space<hbm>>
    tpu.enqueue_indirect_dma source(%dma_start3A_53 : memref<1000000x32xf32, #tpu.memory_space<hbm>>) target(%dma_start3A_47 : memref<800x32xf32, #tpu.memory_space<vmem>>) offsets(%dma_start3A_50 : memref<800xi32, #tpu.memory_space<vmem>>) semaphore(%arg8 : memref<!tpu.dma_semaphore, #tpu.memory_space<semaphore_mem>>)
    %add3A_54 = arith.constant 16 : i32
    %add3A_55 = arith.addi %mul3A_2, %add3A_54 : i32
    %mul3A_56 = arith.constant 50 : i32
    %mul3A_57 = arith.muli %add3A_55, %mul3A_56 : i32
    %multiple_of3A_58 = tpu.assume_multiple %mul3A_57, 8 : i32
    %dma_wait3A_59 = arith.constant 1 : i32
    %dma_wait3A_60 = arith.constant 0 : i32
    %dma_wait3A_61 = tpu.memref_slice %arg5[%dma_wait3A_59, %dma_wait3A_60] : memref<2x800xi32, #tpu.memory_space<vmem>> -> memref<1x800xi32, #tpu.memory_space<vmem>>
    %dma_wait3A_62 = tpu.memref_squeeze %dma_wait3A_61 : memref<1x800xi32, #tpu.memory_space<vmem>> -> memref<800xi32, #tpu.memory_space<vmem>>
    %dma_wait3A_63 = tpu.memref_slice %arg2[%multiple_of3A_58] : memref<819200xi32, #tpu.memory_space<hbm>> -> memref<800xi32, #tpu.memory_space<hbm>>
    %dma_wait3A_64 = arith.constant 0 : i32
    %dma_wait3A_65 = tpu.memref_slice %arg5[%dma_wait3A_59, %dma_wait3A_64] : memref<2x800xi32, #tpu.memory_space<vmem>> -> memref<1x800xi32, #tpu.memory_space<vmem>>
    %dma_wait3A_66 = tpu.memref_squeeze %dma_wait3A_65 : memref<1x800xi32, #tpu.memory_space<vmem>> -> memref<800xi32, #tpu.memory_space<vmem>>
    %dma_wait3A_67 = tpu.memref_slice %arg2[%multiple_of3A_58] : memref<819200xi32, #tpu.memory_space<hbm>> -> memref<800xi32, #tpu.memory_space<hbm>>
    tpu.wait_dma2 semaphore(%arg13 : memref<!tpu.dma_semaphore, #tpu.memory_space<semaphore_mem>>) src(%dma_wait3A_67 : memref<800xi32, #tpu.memory_space<hbm>>) dst(%dma_wait3A_66 : memref<800xi32, #tpu.memory_space<vmem>>)
    %dma_start3A_68 = arith.constant 1 : i32
    %dma_start3A_69 = arith.constant 1 : i32
    %dma_start3A_70 = arith.constant 0 : i32
    %dma_start3A_71 = arith.constant 0 : i32
    %dma_start3A_72 = tpu.memref_slice %arg6[%dma_start3A_69, %dma_start3A_70, %dma_start3A_71] : memref<2x800x32xf32, #tpu.memory_space<vmem>> -> memref<1x800x32xf32, #tpu.memory_space<vmem>>
    %dma_start3A_73 = tpu.memref_squeeze %dma_start3A_72 : memref<1x800x32xf32, #tpu.memory_space<vmem>> -> memref<800x32xf32, #tpu.memory_space<vmem>>
    %dma_start3A_74 = arith.constant 0 : i32
    %dma_start3A_75 = tpu.memref_slice %arg5[%dma_start3A_68, %dma_start3A_74] : memref<2x800xi32, #tpu.memory_space<vmem>> -> memref<1x800xi32, #tpu.memory_space<vmem>>
    %dma_start3A_76 = tpu.memref_squeeze %dma_start3A_75 : memref<1x800xi32, #tpu.memory_space<vmem>> -> memref<800xi32, #tpu.memory_space<vmem>>
    %dma_start3A_77 = arith.constant 0 : i32
    %dma_start3A_78 = arith.constant 0 : i32
    %dma_start3A_79 = tpu.memref_slice %arg3[%dma_start3A_77, %dma_start3A_78] : memref<1000000x32xf32, #tpu.memory_space<hbm>> -> memref<1000000x32xf32, #tpu.memory_space<hbm>>
    tpu.enqueue_indirect_dma source(%dma_start3A_79 : memref<1000000x32xf32, #tpu.memory_space<hbm>>) target(%dma_start3A_73 : memref<800x32xf32, #tpu.memory_space<vmem>>) offsets(%dma_start3A_76 : memref<800xi32, #tpu.memory_space<vmem>>) semaphore(%arg9 : memref<!tpu.dma_semaphore, #tpu.memory_space<semaphore_mem>>)
    %scan3A = arith.constant 0 : i32
    %scan3A_80 = arith.constant 0 : i32
    %scan3A_81 = arith.constant 16 : i32
    %scan3A_82 = arith.addi %scan3A_80, %scan3A_81 : i32
    %scan3A_83 = arith.constant 1 : i32
    scf.for %scan3A_117 = %scan3A_80 to %scan3A_82 step %scan3A_83  : i32 {
      %mul3A_118 = arith.constant 2 : i32
      %mul3A_119 = arith.muli %scan3A_117, %mul3A_118 : i32
      %add3A_120 = arith.constant 0 : i32
      %add3A_121 = arith.addi %mul3A_119, %add3A_120 : i32
      %dma_wait3A_122 = arith.constant 0 : i32
      %dma_wait3A_123 = arith.constant 0 : i32
      %dma_wait3A_124 = arith.constant 0 : i32
      %dma_wait3A_125 = arith.constant 0 : i32
      %dma_wait3A_126 = tpu.memref_slice %arg6[%dma_wait3A_123, %dma_wait3A_124, %dma_wait3A_125] : memref<2x800x32xf32, #tpu.memory_space<vmem>> -> memref<1x800x32xf32, #tpu.memory_space<vmem>>
      %dma_wait3A_127 = tpu.memref_squeeze %dma_wait3A_126 : memref<1x800x32xf32, #tpu.memory_space<vmem>> -> memref<800x32xf32, #tpu.memory_space<vmem>>
      %dma_wait3A_128 = arith.constant 0 : i32
      %dma_wait3A_129 = tpu.memref_slice %arg5[%dma_wait3A_122, %dma_wait3A_128] : memref<2x800xi32, #tpu.memory_space<vmem>> -> memref<1x800xi32, #tpu.memory_space<vmem>>
      %dma_wait3A_130 = tpu.memref_squeeze %dma_wait3A_129 : memref<1x800xi32, #tpu.memory_space<vmem>> -> memref<800xi32, #tpu.memory_space<vmem>>
      %dma_wait3A_131 = arith.constant 0 : i32
      %dma_wait3A_132 = arith.constant 0 : i32
      %dma_wait3A_133 = tpu.memref_slice %arg3[%dma_wait3A_131, %dma_wait3A_132] : memref<1000000x32xf32, #tpu.memory_space<hbm>> -> memref<1000000x32xf32, #tpu.memory_space<hbm>>
      tpu.wait_indirect_dma semaphore(%arg8 : memref<!tpu.dma_semaphore, #tpu.memory_space<semaphore_mem>>) src(%dma_wait3A_133 : memref<1000000x32xf32, #tpu.memory_space<hbm>>) dst(%dma_wait3A_127 : memref<800x32xf32, #tpu.memory_space<vmem>>)
      %add3A_134 = arith.constant 2 : i32
      %add3A_135 = arith.addi %add3A_121, %add3A_134 : i32
      %lt3A = arith.constant 32 : i32
      %lt3A_136 = arith.cmpi slt, %add3A_135, %lt3A : i32
      %convert_element_type3A = arith.extui %lt3A_136 : i1 to i32
      %cond3A = arith.constant 0 : i32
      %cond3A_137 = arith.cmpi ne, %convert_element_type3A, %cond3A : i32
      scf.if %cond3A_137 {
        %add3A_234 = arith.constant 2 : i32
        %add3A_235 = arith.addi %add3A_121, %add3A_234 : i32
        %mul3A_236 = arith.constant 16 : i32
        %mul3A_237 = arith.muli %add3A_235, %mul3A_236 : i32
        %add3A_238 = arith.addi %mul3A_2, %mul3A_237 : i32
        %mul3A_239 = arith.constant 50 : i32
        %mul3A_240 = arith.muli %add3A_238, %mul3A_239 : i32
        %multiple_of3A_241 = tpu.assume_multiple %mul3A_240, 8 : i32
        %dma_start3A_242 = arith.constant 0 : i32
        %dma_start3A_243 = arith.constant 0 : i32
        %dma_start3A_244 = tpu.memref_slice %arg5[%dma_start3A_242, %dma_start3A_243] : memref<2x800xi32, #tpu.memory_space<vmem>> -> memref<1x800xi32, #tpu.memory_space<vmem>>
        %dma_start3A_245 = tpu.memref_squeeze %dma_start3A_244 : memref<1x800xi32, #tpu.memory_space<vmem>> -> memref<800xi32, #tpu.memory_space<vmem>>
        %dma_start3A_246 = tpu.memref_slice %arg2[%multiple_of3A_241] : memref<819200xi32, #tpu.memory_space<hbm>> -> memref<800xi32, #tpu.memory_space<hbm>>
        %dma_start3A_247 = arith.constant 0 : i32
        %dma_start3A_248 = tpu.memref_slice %arg5[%dma_start3A_242, %dma_start3A_247] : memref<2x800xi32, #tpu.memory_space<vmem>> -> memref<1x800xi32, #tpu.memory_space<vmem>>
        %dma_start3A_249 = tpu.memref_squeeze %dma_start3A_248 : memref<1x800xi32, #tpu.memory_space<vmem>> -> memref<800xi32, #tpu.memory_space<vmem>>
        %dma_start3A_250 = tpu.memref_slice %arg2[%multiple_of3A_241] : memref<819200xi32, #tpu.memory_space<hbm>> -> memref<800xi32, #tpu.memory_space<hbm>>
        tpu.enqueue_dma source(%dma_start3A_250 : memref<800xi32, #tpu.memory_space<hbm>>) target(%dma_start3A_249 : memref<800xi32, #tpu.memory_space<vmem>>) target_semaphore(%arg12 : memref<!tpu.dma_semaphore, #tpu.memory_space<semaphore_mem>>)
      } else {
      }
      %gt3A = arith.constant 0 : i32
      %gt3A_138 = arith.cmpi sgt, %scan3A_117, %gt3A : i32
      %convert_element_type3A_139 = arith.extui %gt3A_138 : i1 to i32
      %cond3A_140 = arith.constant 0 : i32
      %cond3A_141 = arith.cmpi ne, %convert_element_type3A_139, %cond3A_140 : i32
      scf.if %cond3A_141 {
        %sub3A = arith.constant 2 : i32
        %sub3A_234 = arith.subi %add3A_121, %sub3A : i32
        %mul3A_235 = arith.constant 16 : i32
        %mul3A_236 = arith.muli %sub3A_234, %mul3A_235 : i32
        %add3A_237 = arith.addi %mul3A_2, %mul3A_236 : i32
        %multiple_of3A_238 = tpu.assume_multiple %add3A_237, 8 : i32
        %dma_wait3A_239 = arith.constant 0 : i32
        %dma_wait3A_240 = arith.constant 0 : i32
        %dma_wait3A_241 = arith.constant 0 : i32
        %dma_wait3A_242 = tpu.memref_slice %arg7[%dma_wait3A_239, %dma_wait3A_240, %dma_wait3A_241] : memref<2x1600x17xf32, #tpu.memory_space<vmem>> -> memref<1x1600x16xf32, #tpu.memory_space<vmem>>
        %dma_wait3A_243 = tpu.memref_squeeze %dma_wait3A_242 : memref<1x1600x16xf32, #tpu.memory_space<vmem>> -> memref<1600x16xf32, #tpu.memory_space<vmem>>
        %dma_wait3A_244 = arith.constant 0 : i32
        %dma_wait3A_245 = tpu.memref_slice %arg4[%dma_wait3A_244, %multiple_of3A_238] : memref<1600x16384xf32, #tpu.memory_space<hbm>> -> memref<1600x16xf32, #tpu.memory_space<hbm>>
        %dma_wait3A_246 = arith.constant 0 : i32
        %dma_wait3A_247 = tpu.memref_slice %arg4[%dma_wait3A_246, %multiple_of3A_238] : memref<1600x16384xf32, #tpu.memory_space<hbm>> -> memref<1600x16xf32, #tpu.memory_space<hbm>>
        %dma_wait3A_248 = arith.constant 0 : i32
        %dma_wait3A_249 = arith.constant 0 : i32
        %dma_wait3A_250 = tpu.memref_slice %arg7[%dma_wait3A_239, %dma_wait3A_248, %dma_wait3A_249] : memref<2x1600x17xf32, #tpu.memory_space<vmem>> -> memref<1x1600x16xf32, #tpu.memory_space<vmem>>
        %dma_wait3A_251 = tpu.memref_squeeze %dma_wait3A_250 : memref<1x1600x16xf32, #tpu.memory_space<vmem>> -> memref<1600x16xf32, #tpu.memory_space<vmem>>
        tpu.wait_dma2 semaphore(%arg10 : memref<!tpu.dma_semaphore, #tpu.memory_space<semaphore_mem>>) src(%dma_wait3A_251 : memref<1600x16xf32, #tpu.memory_space<vmem>>) dst(%dma_wait3A_247 : memref<1600x16xf32, #tpu.memory_space<hbm>>)
      } else {
      }
      %scan3A_142 = arith.constant 0 : i32
      %scan3A_143 = arith.constant 0 : i32
      %scan3A_144 = arith.constant 0 : i32
      %scan3A_145 = arith.constant 0 : i32
      %scan3A_146 = arith.constant 800 : i32
      %scan3A_147 = arith.addi %scan3A_145, %scan3A_146 : i32
      %scan3A_148 = arith.constant 1 : i32
      scf.for %scan3A_234 = %scan3A_145 to %scan3A_147 step %scan3A_148  : i32 {
        %jit3A = arith.constant 50 : i32
        %div3A = arith.divsi %scan3A_234, %jit3A : i32
        %sign3A = arith.constant 0 : i32
        %sign3A_235 = arith.cmpi sgt, %scan3A_234, %sign3A : i32
        %sign3A_236 = arith.extui %sign3A_235 : i1 to i32
        %sign3A_237 = arith.constant 0 : i32
        %sign3A_238 = arith.cmpi slt, %scan3A_234, %sign3A_237 : i32
        %sign3A_239 = arith.extui %sign3A_238 : i1 to i32
        %sign3A_240 = arith.subi %sign3A_236, %sign3A_239 : i32
        %sign3A_241 = arith.constant 0 : i32
        %sign3A_242 = arith.cmpi sgt, %jit3A, %sign3A_241 : i32
        %sign3A_243 = arith.extui %sign3A_242 : i1 to i32
        %sign3A_244 = arith.constant 0 : i32
        %sign3A_245 = arith.cmpi slt, %jit3A, %sign3A_244 : i32
        %sign3A_246 = arith.extui %sign3A_245 : i1 to i32
        %sign3A_247 = arith.subi %sign3A_243, %sign3A_246 : i32
        %ne3A = arith.cmpi ne, %sign3A_240, %sign3A_247 : i32
        %rem3A = arith.remsi %scan3A_234, %jit3A : i32
        %ne3A_248 = arith.constant 0 : i32
        %ne3A_249 = arith.cmpi ne, %rem3A, %ne3A_248 : i32
        %and3A = arith.andi %ne3A, %ne3A_249 : i1
        %sub3A = arith.constant 1 : i32
        %sub3A_250 = arith.subi %div3A, %sub3A : i32
        %select_n3A = arith.select %and3A, %sub3A_250, %div3A : i32
        %mul3A_251 = arith.constant 50 : i32
        %mul3A_252 = arith.muli %select_n3A, %mul3A_251 : i32
        %sub3A_253 = arith.subi %scan3A_234, %mul3A_252 : i32
        %mul3A_254 = arith.constant 32 : i32
        %mul3A_255 = arith.muli %sub3A_253, %mul3A_254 : i32
        %broadcast_in_dim3A = vector.broadcast %mul3A_255 : i32 to vector<16xi32>
        %add3A_256 = arith.addi %broadcast_in_dim3A, %iota3A : vector<16xi32>
        %broadcast_in_dim3A_257 = vector.broadcast %select_n3A : i32 to vector<16xi32>
        %get3A = arith.constant 0 : i32
        %get3A_258 = arith.constant 0 : i32
        %get3A_259 = tpu.memref_slice %arg6[%scan3A_143, %get3A, %get3A_258] : memref<2x800x32xf32, #tpu.memory_space<vmem>> -> memref<1x800x32xf32, #tpu.memory_space<vmem>>
        %get3A_260 = tpu.memref_squeeze %get3A_259 : memref<1x800x32xf32, #tpu.memory_space<vmem>> -> memref<800x32xf32, #tpu.memory_space<vmem>>
        %get3A_261 = arith.index_cast %scan3A_234 : i32 to index
        %get3A_262 = arith.constant 0 : index
        %get3A_263 = tpu.vector_load %get3A_260[%get3A_261, %get3A_262] {strides = array<i32>} : memref<800x32xf32, #tpu.memory_space<vmem>>, vector<16xf32>,
        %add3A_264 = arith.constant 0 : i32
        %add3A_265 = vector.broadcast %add3A_264 : i32 to vector<16xi32>
        %add3A_266 = arith.addi %add3A_256, %add3A_265 : vector<16xi32>
        %scatter3A = arith.constant 0 : i32
        %scatter3A_267 = arith.constant 0 : i32
        %scatter3A_268 = tpu.memref_slice %arg7[%scan3A_144, %scatter3A, %scatter3A_267] : memref<2x1600x17xf32, #tpu.memory_space<vmem>> -> memref<1x1600x17xf32, #tpu.memory_space<vmem>>
        %scatter3A_269 = tpu.memref_squeeze %scatter3A_268 : memref<1x1600x17xf32, #tpu.memory_space<vmem>> -> memref<1600x17xf32, #tpu.memory_space<vmem>>
        tpu.vector_store_idx %scatter3A_269[%add3A_266, %broadcast_in_dim3A_257], %get3A_263 : memref<1600x17xf32, #tpu.memory_space<vmem>>[vector<16xi32>, vector<16xi32>], vector<16xf32>,
        %get3A_270 = arith.constant 0 : i32
        %get3A_271 = arith.constant 0 : i32
        %get3A_272 = tpu.memref_slice %arg6[%scan3A_143, %get3A_270, %get3A_271] : memref<2x800x32xf32, #tpu.memory_space<vmem>> -> memref<1x800x32xf32, #tpu.memory_space<vmem>>
        %get3A_273 = tpu.memref_squeeze %get3A_272 : memref<1x800x32xf32, #tpu.memory_space<vmem>> -> memref<800x32xf32, #tpu.memory_space<vmem>>
        %get3A_274 = arith.index_cast %scan3A_234 : i32 to index
        %get3A_275 = arith.constant 16 : index
        %get3A_276 = tpu.vector_load %get3A_273[%get3A_274, %get3A_275] {strides = array<i32>} : memref<800x32xf32, #tpu.memory_space<vmem>>, vector<16xf32>,
        %add3A_277 = arith.constant 16 : i32
        %add3A_278 = vector.broadcast %add3A_277 : i32 to vector<16xi32>
        %add3A_279 = arith.addi %add3A_256, %add3A_278 : vector<16xi32>
        %scatter3A_280 = arith.constant 0 : i32
        %scatter3A_281 = arith.constant 0 : i32
        %scatter3A_282 = tpu.memref_slice %arg7[%scan3A_144, %scatter3A_280, %scatter3A_281] : memref<2x1600x17xf32, #tpu.memory_space<vmem>> -> memref<1x1600x17xf32, #tpu.memory_space<vmem>>
        %scatter3A_283 = tpu.memref_squeeze %scatter3A_282 : memref<1x1600x17xf32, #tpu.memory_space<vmem>> -> memref<1600x17xf32, #tpu.memory_space<vmem>>
        tpu.vector_store_idx %scatter3A_283[%add3A_279, %broadcast_in_dim3A_257], %get3A_276 : memref<1600x17xf32, #tpu.memory_space<vmem>>[vector<16xi32>, vector<16xi32>], vector<16xf32>,
      }
      %scan3A_149 = arith.constant 800 : i32
      %add3A_150 = arith.constant 2 : i32
      %add3A_151 = arith.addi %add3A_121, %add3A_150 : i32
      %lt3A_152 = arith.constant 32 : i32
      %lt3A_153 = arith.cmpi slt, %add3A_151, %lt3A_152 : i32
      %convert_element_type3A_154 = arith.extui %lt3A_153 : i1 to i32
      %cond3A_155 = arith.constant 0 : i32
      %cond3A_156 = arith.cmpi ne, %convert_element_type3A_154, %cond3A_155 : i32
      scf.if %cond3A_156 {
        %add3A_234 = arith.constant 2 : i32
        %add3A_235 = arith.addi %add3A_121, %add3A_234 : i32
        %mul3A_236 = arith.constant 16 : i32
        %mul3A_237 = arith.muli %add3A_235, %mul3A_236 : i32
        %add3A_238 = arith.addi %mul3A_2, %mul3A_237 : i32
        %mul3A_239 = arith.constant 50 : i32
        %mul3A_240 = arith.muli %add3A_238, %mul3A_239 : i32
        %multiple_of3A_241 = tpu.assume_multiple %mul3A_240, 8 : i32
        %dma_wait3A_242 = arith.constant 0 : i32
        %dma_wait3A_243 = arith.constant 0 : i32
        %dma_wait3A_244 = tpu.memref_slice %arg5[%dma_wait3A_242, %dma_wait3A_243] : memref<2x800xi32, #tpu.memory_space<vmem>> -> memref<1x800xi32, #tpu.memory_space<vmem>>
        %dma_wait3A_245 = tpu.memref_squeeze %dma_wait3A_244 : memref<1x800xi32, #tpu.memory_space<vmem>> -> memref<800xi32, #tpu.memory_space<vmem>>
        %dma_wait3A_246 = tpu.memref_slice %arg2[%multiple_of3A_241] : memref<819200xi32, #tpu.memory_space<hbm>> -> memref<800xi32, #tpu.memory_space<hbm>>
        %dma_wait3A_247 = arith.constant 0 : i32
        %dma_wait3A_248 = tpu.memref_slice %arg5[%dma_wait3A_242, %dma_wait3A_247] : memref<2x800xi32, #tpu.memory_space<vmem>> -> memref<1x800xi32, #tpu.memory_space<vmem>>
        %dma_wait3A_249 = tpu.memref_squeeze %dma_wait3A_248 : memref<1x800xi32, #tpu.memory_space<vmem>> -> memref<800xi32, #tpu.memory_space<vmem>>
        %dma_wait3A_250 = tpu.memref_slice %arg2[%multiple_of3A_241] : memref<819200xi32, #tpu.memory_space<hbm>> -> memref<800xi32, #tpu.memory_space<hbm>>
        tpu.wait_dma2 semaphore(%arg12 : memref<!tpu.dma_semaphore, #tpu.memory_space<semaphore_mem>>) src(%dma_wait3A_250 : memref<800xi32, #tpu.memory_space<hbm>>) dst(%dma_wait3A_249 : memref<800xi32, #tpu.memory_space<vmem>>)
        %dma_start3A_251 = arith.constant 0 : i32
        %dma_start3A_252 = arith.constant 0 : i32
        %dma_start3A_253 = arith.constant 0 : i32
        %dma_start3A_254 = arith.constant 0 : i32
        %dma_start3A_255 = tpu.memref_slice %arg6[%dma_start3A_252, %dma_start3A_253, %dma_start3A_254] : memref<2x800x32xf32, #tpu.memory_space<vmem>> -> memref<1x800x32xf32, #tpu.memory_space<vmem>>
        %dma_start3A_256 = tpu.memref_squeeze %dma_start3A_255 : memref<1x800x32xf32, #tpu.memory_space<vmem>> -> memref<800x32xf32, #tpu.memory_space<vmem>>
        %dma_start3A_257 = arith.constant 0 : i32
        %dma_start3A_258 = tpu.memref_slice %arg5[%dma_start3A_251, %dma_start3A_257] : memref<2x800xi32, #tpu.memory_space<vmem>> -> memref<1x800xi32, #tpu.memory_space<vmem>>
        %dma_start3A_259 = tpu.memref_squeeze %dma_start3A_258 : memref<1x800xi32, #tpu.memory_space<vmem>> -> memref<800xi32, #tpu.memory_space<vmem>>
        %dma_start3A_260 = arith.constant 0 : i32
        %dma_start3A_261 = arith.constant 0 : i32
        %dma_start3A_262 = tpu.memref_slice %arg3[%dma_start3A_260, %dma_start3A_261] : memref<1000000x32xf32, #tpu.memory_space<hbm>> -> memref<1000000x32xf32, #tpu.memory_space<hbm>>
        tpu.enqueue_indirect_dma source(%dma_start3A_262 : memref<1000000x32xf32, #tpu.memory_space<hbm>>) target(%dma_start3A_256 : memref<800x32xf32, #tpu.memory_space<vmem>>) offsets(%dma_start3A_259 : memref<800xi32, #tpu.memory_space<vmem>>) semaphore(%arg8 : memref<!tpu.dma_semaphore, #tpu.memory_space<semaphore_mem>>)
      } else {
      }
      %mul3A_157 = arith.constant 16 : i32
      %mul3A_158 = arith.muli %add3A_121, %mul3A_157 : i32
      %add3A_159 = arith.addi %mul3A_2, %mul3A_158 : i32
      %multiple_of3A_160 = tpu.assume_multiple %add3A_159, 8 : i32
      %dma_start3A_161 = arith.constant 0 : i32
      %dma_start3A_162 = arith.constant 0 : i32
      %dma_start3A_163 = arith.constant 0 : i32
      %dma_start3A_164 = tpu.memref_slice %arg7[%dma_start3A_161, %dma_start3A_162, %dma_start3A_163] : memref<2x1600x17xf32, #tpu.memory_space<vmem>> -> memref<1x1600x16xf32, #tpu.memory_space<vmem>>
      %dma_start3A_165 = tpu.memref_squeeze %dma_start3A_164 : memref<1x1600x16xf32, #tpu.memory_space<vmem>> -> memref<1600x16xf32, #tpu.memory_space<vmem>>
      %dma_start3A_166 = arith.constant 0 : i32
      %dma_start3A_167 = tpu.memref_slice %arg4[%dma_start3A_166, %multiple_of3A_160] : memref<1600x16384xf32, #tpu.memory_space<hbm>> -> memref<1600x16xf32, #tpu.memory_space<hbm>>
      %dma_start3A_168 = arith.constant 0 : i32
      %dma_start3A_169 = tpu.memref_slice %arg4[%dma_start3A_168, %multiple_of3A_160] : memref<1600x16384xf32, #tpu.memory_space<hbm>> -> memref<1600x16xf32, #tpu.memory_space<hbm>>
      %dma_start3A_170 = arith.constant 0 : i32
      %dma_start3A_171 = arith.constant 0 : i32
      %dma_start3A_172 = tpu.memref_slice %arg7[%dma_start3A_161, %dma_start3A_170, %dma_start3A_171] : memref<2x1600x17xf32, #tpu.memory_space<vmem>> -> memref<1x1600x16xf32, #tpu.memory_space<vmem>>
      %dma_start3A_173 = tpu.memref_squeeze %dma_start3A_172 : memref<1x1600x16xf32, #tpu.memory_space<vmem>> -> memref<1600x16xf32, #tpu.memory_space<vmem>>
      tpu.enqueue_dma source(%dma_start3A_173 : memref<1600x16xf32, #tpu.memory_space<vmem>>) target(%dma_start3A_169 : memref<1600x16xf32, #tpu.memory_space<hbm>>) target_semaphore(%arg10 : memref<!tpu.dma_semaphore, #tpu.memory_space<semaphore_mem>>)
      %mul3A_174 = arith.constant 2 : i32
      %mul3A_175 = arith.muli %scan3A_117, %mul3A_174 : i32
      %add3A_176 = arith.constant 1 : i32
      %add3A_177 = arith.addi %mul3A_175, %add3A_176 : i32
      %dma_wait3A_178 = arith.constant 1 : i32
      %dma_wait3A_179 = arith.constant 1 : i32
      %dma_wait3A_180 = arith.constant 0 : i32
      %dma_wait3A_181 = arith.constant 0 : i32
      %dma_wait3A_182 = tpu.memref_slice %arg6[%dma_wait3A_179, %dma_wait3A_180, %dma_wait3A_181] : memref<2x800x32xf32, #tpu.memory_space<vmem>> -> memref<1x800x32xf32, #tpu.memory_space<vmem>>
      %dma_wait3A_183 = tpu.memref_squeeze %dma_wait3A_182 : memref<1x800x32xf32, #tpu.memory_space<vmem>> -> memref<800x32xf32, #tpu.memory_space<vmem>>
      %dma_wait3A_184 = arith.constant 0 : i32
      %dma_wait3A_185 = tpu.memref_slice %arg5[%dma_wait3A_178, %dma_wait3A_184] : memref<2x800xi32, #tpu.memory_space<vmem>> -> memref<1x800xi32, #tpu.memory_space<vmem>>
      %dma_wait3A_186 = tpu.memref_squeeze %dma_wait3A_185 : memref<1x800xi32, #tpu.memory_space<vmem>> -> memref<800xi32, #tpu.memory_space<vmem>>
      %dma_wait3A_187 = arith.constant 0 : i32
      %dma_wait3A_188 = arith.constant 0 : i32
      %dma_wait3A_189 = tpu.memref_slice %arg3[%dma_wait3A_187, %dma_wait3A_188] : memref<1000000x32xf32, #tpu.memory_space<hbm>> -> memref<1000000x32xf32, #tpu.memory_space<hbm>>
      tpu.wait_indirect_dma semaphore(%arg9 : memref<!tpu.dma_semaphore, #tpu.memory_space<semaphore_mem>>) src(%dma_wait3A_189 : memref<1000000x32xf32, #tpu.memory_space<hbm>>) dst(%dma_wait3A_183 : memref<800x32xf32, #tpu.memory_space<vmem>>)
      %add3A_190 = arith.constant 2 : i32
      %add3A_191 = arith.addi %add3A_177, %add3A_190 : i32
      %lt3A_192 = arith.constant 32 : i32
      %lt3A_193 = arith.cmpi slt, %add3A_191, %lt3A_192 : i32
      %convert_element_type3A_194 = arith.extui %lt3A_193 : i1 to i32
      %cond3A_195 = arith.constant 0 : i32
      %cond3A_196 = arith.cmpi ne, %convert_element_type3A_194, %cond3A_195 : i32
      scf.if %cond3A_196 {
        %add3A_234 = arith.constant 2 : i32
        %add3A_235 = arith.addi %add3A_177, %add3A_234 : i32
        %mul3A_236 = arith.constant 16 : i32
        %mul3A_237 = arith.muli %add3A_235, %mul3A_236 : i32
        %add3A_238 = arith.addi %mul3A_2, %mul3A_237 : i32
        %mul3A_239 = arith.constant 50 : i32
        %mul3A_240 = arith.muli %add3A_238, %mul3A_239 : i32
        %multiple_of3A_241 = tpu.assume_multiple %mul3A_240, 8 : i32
        %dma_start3A_242 = arith.constant 1 : i32
        %dma_start3A_243 = arith.constant 0 : i32
        %dma_start3A_244 = tpu.memref_slice %arg5[%dma_start3A_242, %dma_start3A_243] : memref<2x800xi32, #tpu.memory_space<vmem>> -> memref<1x800xi32, #tpu.memory_space<vmem>>
        %dma_start3A_245 = tpu.memref_squeeze %dma_start3A_244 : memref<1x800xi32, #tpu.memory_space<vmem>> -> memref<800xi32, #tpu.memory_space<vmem>>
        %dma_start3A_246 = tpu.memref_slice %arg2[%multiple_of3A_241] : memref<819200xi32, #tpu.memory_space<hbm>> -> memref<800xi32, #tpu.memory_space<hbm>>
        %dma_start3A_247 = arith.constant 0 : i32
        %dma_start3A_248 = tpu.memref_slice %arg5[%dma_start3A_242, %dma_start3A_247] : memref<2x800xi32, #tpu.memory_space<vmem>> -> memref<1x800xi32, #tpu.memory_space<vmem>>
        %dma_start3A_249 = tpu.memref_squeeze %dma_start3A_248 : memref<1x800xi32, #tpu.memory_space<vmem>> -> memref<800xi32, #tpu.memory_space<vmem>>
        %dma_start3A_250 = tpu.memref_slice %arg2[%multiple_of3A_241] : memref<819200xi32, #tpu.memory_space<hbm>> -> memref<800xi32, #tpu.memory_space<hbm>>
        tpu.enqueue_dma source(%dma_start3A_250 : memref<800xi32, #tpu.memory_space<hbm>>) target(%dma_start3A_249 : memref<800xi32, #tpu.memory_space<vmem>>) target_semaphore(%arg13 : memref<!tpu.dma_semaphore, #tpu.memory_space<semaphore_mem>>)
      } else {
      }
      %gt3A_197 = arith.constant 0 : i32
      %gt3A_198 = arith.cmpi sgt, %scan3A_117, %gt3A_197 : i32
      %convert_element_type3A_199 = arith.extui %gt3A_198 : i1 to i32
      %cond3A_200 = arith.constant 0 : i32
      %cond3A_201 = arith.cmpi ne, %convert_element_type3A_199, %cond3A_200 : i32
      scf.if %cond3A_201 {
        %sub3A = arith.constant 2 : i32
        %sub3A_234 = arith.subi %add3A_177, %sub3A : i32
        %mul3A_235 = arith.constant 16 : i32
        %mul3A_236 = arith.muli %sub3A_234, %mul3A_235 : i32
        %add3A_237 = arith.addi %mul3A_2, %mul3A_236 : i32
        %multiple_of3A_238 = tpu.assume_multiple %add3A_237, 8 : i32
        %dma_wait3A_239 = arith.constant 1 : i32
        %dma_wait3A_240 = arith.constant 0 : i32
        %dma_wait3A_241 = arith.constant 0 : i32
        %dma_wait3A_242 = tpu.memref_slice %arg7[%dma_wait3A_239, %dma_wait3A_240, %dma_wait3A_241] : memref<2x1600x17xf32, #tpu.memory_space<vmem>> -> memref<1x1600x16xf32, #tpu.memory_space<vmem>>
        %dma_wait3A_243 = tpu.memref_squeeze %dma_wait3A_242 : memref<1x1600x16xf32, #tpu.memory_space<vmem>> -> memref<1600x16xf32, #tpu.memory_space<vmem>>
        %dma_wait3A_244 = arith.constant 0 : i32
        %dma_wait3A_245 = tpu.memref_slice %arg4[%dma_wait3A_244, %multiple_of3A_238] : memref<1600x16384xf32, #tpu.memory_space<hbm>> -> memref<1600x16xf32, #tpu.memory_space<hbm>>
        %dma_wait3A_246 = arith.constant 0 : i32
        %dma_wait3A_247 = tpu.memref_slice %arg4[%dma_wait3A_246, %multiple_of3A_238] : memref<1600x16384xf32, #tpu.memory_space<hbm>> -> memref<1600x16xf32, #tpu.memory_space<hbm>>
        %dma_wait3A_248 = arith.constant 0 : i32
        %dma_wait3A_249 = arith.constant 0 : i32
        %dma_wait3A_250 = tpu.memref_slice %arg7[%dma_wait3A_239, %dma_wait3A_248, %dma_wait3A_249] : memref<2x1600x17xf32, #tpu.memory_space<vmem>> -> memref<1x1600x16xf32, #tpu.memory_space<vmem>>
        %dma_wait3A_251 = tpu.memref_squeeze %dma_wait3A_250 : memref<1x1600x16xf32, #tpu.memory_space<vmem>> -> memref<1600x16xf32, #tpu.memory_space<vmem>>
        tpu.wait_dma2 semaphore(%arg11 : memref<!tpu.dma_semaphore, #tpu.memory_space<semaphore_mem>>) src(%dma_wait3A_251 : memref<1600x16xf32, #tpu.memory_space<vmem>>) dst(%dma_wait3A_247 : memref<1600x16xf32, #tpu.memory_space<hbm>>)
      } else {
      }
      %scan3A_202 = arith.constant 0 : i32
      %scan3A_203 = arith.constant 1 : i32
      %scan3A_204 = arith.constant 1 : i32
      %scan3A_205 = arith.constant 0 : i32
      %scan3A_206 = arith.constant 800 : i32
      %scan3A_207 = arith.addi %scan3A_205, %scan3A_206 : i32
      %scan3A_208 = arith.constant 1 : i32
      scf.for %scan3A_234 = %scan3A_205 to %scan3A_207 step %scan3A_208  : i32 {
        %jit3A = arith.constant 50 : i32
        %div3A = arith.divsi %scan3A_234, %jit3A : i32
        %sign3A = arith.constant 0 : i32
        %sign3A_235 = arith.cmpi sgt, %scan3A_234, %sign3A : i32
        %sign3A_236 = arith.extui %sign3A_235 : i1 to i32
        %sign3A_237 = arith.constant 0 : i32
        %sign3A_238 = arith.cmpi slt, %scan3A_234, %sign3A_237 : i32
        %sign3A_239 = arith.extui %sign3A_238 : i1 to i32
        %sign3A_240 = arith.subi %sign3A_236, %sign3A_239 : i32
        %sign3A_241 = arith.constant 0 : i32
        %sign3A_242 = arith.cmpi sgt, %jit3A, %sign3A_241 : i32
        %sign3A_243 = arith.extui %sign3A_242 : i1 to i32
        %sign3A_244 = arith.constant 0 : i32
        %sign3A_245 = arith.cmpi slt, %jit3A, %sign3A_244 : i32
        %sign3A_246 = arith.extui %sign3A_245 : i1 to i32
        %sign3A_247 = arith.subi %sign3A_243, %sign3A_246 : i32
        %ne3A = arith.cmpi ne, %sign3A_240, %sign3A_247 : i32
        %rem3A = arith.remsi %scan3A_234, %jit3A : i32
        %ne3A_248 = arith.constant 0 : i32
        %ne3A_249 = arith.cmpi ne, %rem3A, %ne3A_248 : i32
        %and3A = arith.andi %ne3A, %ne3A_249 : i1
        %sub3A = arith.constant 1 : i32
        %sub3A_250 = arith.subi %div3A, %sub3A : i32
        %select_n3A = arith.select %and3A, %sub3A_250, %div3A : i32
        %mul3A_251 = arith.constant 50 : i32
        %mul3A_252 = arith.muli %select_n3A, %mul3A_251 : i32
        %sub3A_253 = arith.subi %scan3A_234, %mul3A_252 : i32
        %mul3A_254 = arith.constant 32 : i32
        %mul3A_255 = arith.muli %sub3A_253, %mul3A_254 : i32
        %broadcast_in_dim3A = vector.broadcast %mul3A_255 : i32 to vector<16xi32>
        %add3A_256 = arith.addi %broadcast_in_dim3A, %iota3A : vector<16xi32>
        %broadcast_in_dim3A_257 = vector.broadcast %select_n3A : i32 to vector<16xi32>
        %get3A = arith.constant 0 : i32
        %get3A_258 = arith.constant 0 : i32
        %get3A_259 = tpu.memref_slice %arg6[%scan3A_203, %get3A, %get3A_258] : memref<2x800x32xf32, #tpu.memory_space<vmem>> -> memref<1x800x32xf32, #tpu.memory_space<vmem>>
        %get3A_260 = tpu.memref_squeeze %get3A_259 : memref<1x800x32xf32, #tpu.memory_space<vmem>> -> memref<800x32xf32, #tpu.memory_space<vmem>>
        %get3A_261 = arith.index_cast %scan3A_234 : i32 to index
        %get3A_262 = arith.constant 0 : index
        %get3A_263 = tpu.vector_load %get3A_260[%get3A_261, %get3A_262] {strides = array<i32>} : memref<800x32xf32, #tpu.memory_space<vmem>>, vector<16xf32>,
        %add3A_264 = arith.constant 0 : i32
        %add3A_265 = vector.broadcast %add3A_264 : i32 to vector<16xi32>
        %add3A_266 = arith.addi %add3A_256, %add3A_265 : vector<16xi32>
        %scatter3A = arith.constant 0 : i32
        %scatter3A_267 = arith.constant 0 : i32
        %scatter3A_268 = tpu.memref_slice %arg7[%scan3A_204, %scatter3A, %scatter3A_267] : memref<2x1600x17xf32, #tpu.memory_space<vmem>> -> memref<1x1600x17xf32, #tpu.memory_space<vmem>>
        %scatter3A_269 = tpu.memref_squeeze %scatter3A_268 : memref<1x1600x17xf32, #tpu.memory_space<vmem>> -> memref<1600x17xf32, #tpu.memory_space<vmem>>
        tpu.vector_store_idx %scatter3A_269[%add3A_266, %broadcast_in_dim3A_257], %get3A_263 : memref<1600x17xf32, #tpu.memory_space<vmem>>[vector<16xi32>, vector<16xi32>], vector<16xf32>,
        %get3A_270 = arith.constant 0 : i32
        %get3A_271 = arith.constant 0 : i32
        %get3A_272 = tpu.memref_slice %arg6[%scan3A_203, %get3A_270, %get3A_271] : memref<2x800x32xf32, #tpu.memory_space<vmem>> -> memref<1x800x32xf32, #tpu.memory_space<vmem>>
        %get3A_273 = tpu.memref_squeeze %get3A_272 : memref<1x800x32xf32, #tpu.memory_space<vmem>> -> memref<800x32xf32, #tpu.memory_space<vmem>>
        %get3A_274 = arith.index_cast %scan3A_234 : i32 to index
        %get3A_275 = arith.constant 16 : index
        %get3A_276 = tpu.vector_load %get3A_273[%get3A_274, %get3A_275] {strides = array<i32>} : memref<800x32xf32, #tpu.memory_space<vmem>>, vector<16xf32>,
        %add3A_277 = arith.constant 16 : i32
        %add3A_278 = vector.broadcast %add3A_277 : i32 to vector<16xi32>
        %add3A_279 = arith.addi %add3A_256, %add3A_278 : vector<16xi32>
        %scatter3A_280 = arith.constant 0 : i32
        %scatter3A_281 = arith.constant 0 : i32
        %scatter3A_282 = tpu.memref_slice %arg7[%scan3A_204, %scatter3A_280, %scatter3A_281] : memref<2x1600x17xf32, #tpu.memory_space<vmem>> -> memref<1x1600x17xf32, #tpu.memory_space<vmem>>
        %scatter3A_283 = tpu.memref_squeeze %scatter3A_282 : memref<1x1600x17xf32, #tpu.memory_space<vmem>> -> memref<1600x17xf32, #tpu.memory_space<vmem>>
        tpu.vector_store_idx %scatter3A_283[%add3A_279, %broadcast_in_dim3A_257], %get3A_276 : memref<1600x17xf32, #tpu.memory_space<vmem>>[vector<16xi32>, vector<16xi32>], vector<16xf32>,
      }
      %scan3A_209 = arith.constant 800 : i32
      %add3A_210 = arith.constant 2 : i32
      %add3A_211 = arith.addi %add3A_177, %add3A_210 : i32
      %lt3A_212 = arith.constant 32 : i32
      %lt3A_213 = arith.cmpi slt, %add3A_211, %lt3A_212 : i32
      %convert_element_type3A_214 = arith.extui %lt3A_213 : i1 to i32
      %cond3A_215 = arith.constant 0 : i32
      %cond3A_216 = arith.cmpi ne, %convert_element_type3A_214, %cond3A_215 : i32
      scf.if %cond3A_216 {
        %add3A_234 = arith.constant 2 : i32
        %add3A_235 = arith.addi %add3A_177, %add3A_234 : i32
        %mul3A_236 = arith.constant 16 : i32
        %mul3A_237 = arith.muli %add3A_235, %mul3A_236 : i32
        %add3A_238 = arith.addi %mul3A_2, %mul3A_237 : i32
        %mul3A_239 = arith.constant 50 : i32
        %mul3A_240 = arith.muli %add3A_238, %mul3A_239 : i32
        %multiple_of3A_241 = tpu.assume_multiple %mul3A_240, 8 : i32
        %dma_wait3A_242 = arith.constant 1 : i32
        %dma_wait3A_243 = arith.constant 0 : i32
        %dma_wait3A_244 = tpu.memref_slice %arg5[%dma_wait3A_242, %dma_wait3A_243] : memref<2x800xi32, #tpu.memory_space<vmem>> -> memref<1x800xi32, #tpu.memory_space<vmem>>
        %dma_wait3A_245 = tpu.memref_squeeze %dma_wait3A_244 : memref<1x800xi32, #tpu.memory_space<vmem>> -> memref<800xi32, #tpu.memory_space<vmem>>
        %dma_wait3A_246 = tpu.memref_slice %arg2[%multiple_of3A_241] : memref<819200xi32, #tpu.memory_space<hbm>> -> memref<800xi32, #tpu.memory_space<hbm>>
        %dma_wait3A_247 = arith.constant 0 : i32
        %dma_wait3A_248 = tpu.memref_slice %arg5[%dma_wait3A_242, %dma_wait3A_247] : memref<2x800xi32, #tpu.memory_space<vmem>> -> memref<1x800xi32, #tpu.memory_space<vmem>>
        %dma_wait3A_249 = tpu.memref_squeeze %dma_wait3A_248 : memref<1x800xi32, #tpu.memory_space<vmem>> -> memref<800xi32, #tpu.memory_space<vmem>>
        %dma_wait3A_250 = tpu.memref_slice %arg2[%multiple_of3A_241] : memref<819200xi32, #tpu.memory_space<hbm>> -> memref<800xi32, #tpu.memory_space<hbm>>
        tpu.wait_dma2 semaphore(%arg13 : memref<!tpu.dma_semaphore, #tpu.memory_space<semaphore_mem>>) src(%dma_wait3A_250 : memref<800xi32, #tpu.memory_space<hbm>>) dst(%dma_wait3A_249 : memref<800xi32, #tpu.memory_space<vmem>>)
        %dma_start3A_251 = arith.constant 1 : i32
        %dma_start3A_252 = arith.constant 1 : i32
        %dma_start3A_253 = arith.constant 0 : i32
        %dma_start3A_254 = arith.constant 0 : i32
        %dma_start3A_255 = tpu.memref_slice %arg6[%dma_start3A_252, %dma_start3A_253, %dma_start3A_254] : memref<2x800x32xf32, #tpu.memory_space<vmem>> -> memref<1x800x32xf32, #tpu.memory_space<vmem>>
        %dma_start3A_256 = tpu.memref_squeeze %dma_start3A_255 : memref<1x800x32xf32, #tpu.memory_space<vmem>> -> memref<800x32xf32, #tpu.memory_space<vmem>>
        %dma_start3A_257 = arith.constant 0 : i32
        %dma_start3A_258 = tpu.memref_slice %arg5[%dma_start3A_251, %dma_start3A_257] : memref<2x800xi32, #tpu.memory_space<vmem>> -> memref<1x800xi32, #tpu.memory_space<vmem>>
        %dma_start3A_259 = tpu.memref_squeeze %dma_start3A_258 : memref<1x800xi32, #tpu.memory_space<vmem>> -> memref<800xi32, #tpu.memory_space<vmem>>
        %dma_start3A_260 = arith.constant 0 : i32
        %dma_start3A_261 = arith.constant 0 : i32
        %dma_start3A_262 = tpu.memref_slice %arg3[%dma_start3A_260, %dma_start3A_261] : memref<1000000x32xf32, #tpu.memory_space<hbm>> -> memref<1000000x32xf32, #tpu.memory_space<hbm>>
        tpu.enqueue_indirect_dma source(%dma_start3A_262 : memref<1000000x32xf32, #tpu.memory_space<hbm>>) target(%dma_start3A_256 : memref<800x32xf32, #tpu.memory_space<vmem>>) offsets(%dma_start3A_259 : memref<800xi32, #tpu.memory_space<vmem>>) semaphore(%arg9 : memref<!tpu.dma_semaphore, #tpu.memory_space<semaphore_mem>>)
      } else {
      }
      %mul3A_217 = arith.constant 16 : i32
      %mul3A_218 = arith.muli %add3A_177, %mul3A_217 : i32
      %add3A_219 = arith.addi %mul3A_2, %mul3A_218 : i32
      %multiple_of3A_220 = tpu.assume_multiple %add3A_219, 8 : i32
      %dma_start3A_221 = arith.constant 1 : i32
      %dma_start3A_222 = arith.constant 0 : i32
      %dma_start3A_223 = arith.constant 0 : i32
      %dma_start3A_224 = tpu.memref_slice %arg7[%dma_start3A_221, %dma_start3A_222, %dma_start3A_223] : memref<2x1600x17xf32, #tpu.memory_space<vmem>> -> memref<1x1600x16xf32, #tpu.memory_space<vmem>>
      %dma_start3A_225 = tpu.memref_squeeze %dma_start3A_224 : memref<1x1600x16xf32, #tpu.memory_space<vmem>> -> memref<1600x16xf32, #tpu.memory_space<vmem>>
      %dma_start3A_226 = arith.constant 0 : i32
      %dma_start3A_227 = tpu.memref_slice %arg4[%dma_start3A_226, %multiple_of3A_220] : memref<1600x16384xf32, #tpu.memory_space<hbm>> -> memref<1600x16xf32, #tpu.memory_space<hbm>>
      %dma_start3A_228 = arith.constant 0 : i32
      %dma_start3A_229 = tpu.memref_slice %arg4[%dma_start3A_228, %multiple_of3A_220] : memref<1600x16384xf32, #tpu.memory_space<hbm>> -> memref<1600x16xf32, #tpu.memory_space<hbm>>
      %dma_start3A_230 = arith.constant 0 : i32
      %dma_start3A_231 = arith.constant 0 : i32
      %dma_start3A_232 = tpu.memref_slice %arg7[%dma_start3A_221, %dma_start3A_230, %dma_start3A_231] : memref<2x1600x17xf32, #tpu.memory_space<vmem>> -> memref<1x1600x16xf32, #tpu.memory_space<vmem>>
      %dma_start3A_233 = tpu.memref_squeeze %dma_start3A_232 : memref<1x1600x16xf32, #tpu.memory_space<vmem>> -> memref<1600x16xf32, #tpu.memory_space<vmem>>
      tpu.enqueue_dma source(%dma_start3A_233 : memref<1600x16xf32, #tpu.memory_space<vmem>>) target(%dma_start3A_229 : memref<1600x16xf32, #tpu.memory_space<hbm>>) target_semaphore(%arg11 : memref<!tpu.dma_semaphore, #tpu.memory_space<semaphore_mem>>)
    }
    %scan3A_84 = arith.constant 16 : i32
    %add3A_85 = arith.constant 480 : i32
    %add3A_86 = arith.addi %mul3A_2, %add3A_85 : i32
    %multiple_of3A_87 = tpu.assume_multiple %add3A_86, 8 : i32
    %dma_wait3A_88 = arith.constant 0 : i32
    %dma_wait3A_89 = arith.constant 0 : i32
    %dma_wait3A_90 = arith.constant 0 : i32
    %dma_wait3A_91 = tpu.memref_slice %arg7[%dma_wait3A_88, %dma_wait3A_89, %dma_wait3A_90] : memref<2x1600x17xf32, #tpu.memory_space<vmem>> -> memref<1x1600x16xf32, #tpu.memory_space<vmem>>
    %dma_wait3A_92 = tpu.memref_squeeze %dma_wait3A_91 : memref<1x1600x16xf32, #tpu.memory_space<vmem>> -> memref<1600x16xf32, #tpu.memory_space<vmem>>
    %dma_wait3A_93 = arith.constant 0 : i32
    %dma_wait3A_94 = tpu.memref_slice %arg4[%dma_wait3A_93, %multiple_of3A_87] : memref<1600x16384xf32, #tpu.memory_space<hbm>> -> memref<1600x16xf32, #tpu.memory_space<hbm>>
    %dma_wait3A_95 = arith.constant 0 : i32
    %dma_wait3A_96 = tpu.memref_slice %arg4[%dma_wait3A_95, %multiple_of3A_87] : memref<1600x16384xf32, #tpu.memory_space<hbm>> -> memref<1600x16xf32, #tpu.memory_space<hbm>>
    %dma_wait3A_97 = arith.constant 0 : i32
    %dma_wait3A_98 = arith.constant 0 : i32
    %dma_wait3A_99 = tpu.memref_slice %arg7[%dma_wait3A_88, %dma_wait3A_97, %dma_wait3A_98] : memref<2x1600x17xf32, #tpu.memory_space<vmem>> -> memref<1x1600x16xf32, #tpu.memory_space<vmem>>
    %dma_wait3A_100 = tpu.memref_squeeze %dma_wait3A_99 : memref<1x1600x16xf32, #tpu.memory_space<vmem>> -> memref<1600x16xf32, #tpu.memory_space<vmem>>
    tpu.wait_dma2 semaphore(%arg10 : memref<!tpu.dma_semaphore, #tpu.memory_space<semaphore_mem>>) src(%dma_wait3A_100 : memref<1600x16xf32, #tpu.memory_space<vmem>>) dst(%dma_wait3A_96 : memref<1600x16xf32, #tpu.memory_space<hbm>>)
    %add3A_101 = arith.constant 496 : i32
    %add3A_102 = arith.addi %mul3A_2, %add3A_101 : i32
    %multiple_of3A_103 = tpu.assume_multiple %add3A_102, 8 : i32
    %dma_wait3A_104 = arith.constant 1 : i32
    %dma_wait3A_105 = arith.constant 0 : i32
    %dma_wait3A_106 = arith.constant 0 : i32
    %dma_wait3A_107 = tpu.memref_slice %arg7[%dma_wait3A_104, %dma_wait3A_105, %dma_wait3A_106] : memref<2x1600x17xf32, #tpu.memory_space<vmem>> -> memref<1x1600x16xf32, #tpu.memory_space<vmem>>
    %dma_wait3A_108 = tpu.memref_squeeze %dma_wait3A_107 : memref<1x1600x16xf32, #tpu.memory_space<vmem>> -> memref<1600x16xf32, #tpu.memory_space<vmem>>
    %dma_wait3A_109 = arith.constant 0 : i32
    %dma_wait3A_110 = tpu.memref_slice %arg4[%dma_wait3A_109, %multiple_of3A_103] : memref<1600x16384xf32, #tpu.memory_space<hbm>> -> memref<1600x16xf32, #tpu.memory_space<hbm>>
    %dma_wait3A_111 = arith.constant 0 : i32
    %dma_wait3A_112 = tpu.memref_slice %arg4[%dma_wait3A_111, %multiple_of3A_103] : memref<1600x16384xf32, #tpu.memory_space<hbm>> -> memref<1600x16xf32, #tpu.memory_space<hbm>>
    %dma_wait3A_113 = arith.constant 0 : i32
    %dma_wait3A_114 = arith.constant 0 : i32
    %dma_wait3A_115 = tpu.memref_slice %arg7[%dma_wait3A_104, %dma_wait3A_113, %dma_wait3A_114] : memref<2x1600x17xf32, #tpu.memory_space<vmem>> -> memref<1x1600x16xf32, #tpu.memory_space<vmem>>
    %dma_wait3A_116 = tpu.memref_squeeze %dma_wait3A_115 : memref<1x1600x16xf32, #tpu.memory_space<vmem>> -> memref<1600x16xf32, #tpu.memory_space<vmem>>
    tpu.wait_dma2 semaphore(%arg11 : memref<!tpu.dma_semaphore, #tpu.memory_space<semaphore_mem>>) src(%dma_wait3A_116 : memref<1600x16xf32, #tpu.memory_space<vmem>>) dst(%dma_wait3A_112 : memref<1600x16xf32, #tpu.memory_space<hbm>>)
    return
  }
}

</mosaic_0001>

<sc_bundles>
// kernel: kernel.3.cloned.1.call-start
scs
__scs_entry_jumppad:
0x0: {  	(pc) =	sbr.rel $0x88, $3  }
0x1: {  	(tag) =	ssettag $0x0;
	lr =	simm.s32 $0x1  }
0x2: {  	[smem:$0x3F9F] =	sst lr;
	_ =	strace $0xD0000000  }
0x3: {  	_ = 	snop  }
0x4: {  	_ = 	snop  }
0x5: {  	_ = 	snop  }
0x6: {  	_ = 	snop  }
0x7: {  	_ = 	snop  }
__scs_overlays_trampoline_lowered:
0x8: {  	[smem:$0x3FAE] =	sst s0  }
0x9: {  	[smem:$0x3FAF] =	sst s1  }
0xa: {  	[smem:$0x3FB0] =	sst s2  }
0xb: {  	[smem:$0x3FB1] =	sst s3  }
0xc: {  	[smem:$0x3FB2] =	sst s4  }
0xd: {  	[smem:$0x3FB3] =	sst s5  }
0xe: {  	[smem:$0x3FB4] =	sst s6  }
0xf: {  	[smem:$0x3FB5] =	sst s7  }
0x10: {  	[smem:$0x3FB6] =	sst s8  }
0x11: {  	[smem:$0x3FB7] =	sst s9;
	s0 =	simm.s32 @!p0 $0x0  }
0x12: {  	s1 =	sld [smem:$0x3F9D];
	s0 =	simm.s32 @p0 $0x1  }
0x13: {  	[smem:$0x3FB8] =	sst s0;
	s0 =	simm.s32 @!p1 $0x0  }
0x14: {  	s2 =	sld [smem:$0x3F9C];
	s0 =	simm.s32 @p1 $0x1  }
0x15: {  	[smem:$0x3FB9] =	sst s0;
	s0 =	simm.s32 @!p2 $0x0  }
0x16: {  	s3 =	sld [smem:$0x3FDB];
	s0 =	simm.s32 @p2 $0x1  }
0x17: {  	s4 =	simm.s32 $0x1BF5;
	[smem:$0x3FBB] =	sst s0  }
0x18: {  	s0 =	sld [smem:$0x3F9E];
	_ =	swait.ge [sflag:s4], $0x0  }
0x19: {  	s7 =	sld [smem:$0x3F9F]  }
0x1a: {  	s8 =	sadd.s32 $0xFFFFE003, lr  }
0x1b: {  	s9 =	sadd.s32 $0xFFFFFEF7, lr;
	s5 =	simm.s32 $0xFFFFFFFF;
	p2 =	slt.u32 s8, $0xFFFFF086  }
0x1c: {  	p1 =	slt.u32 s9, $0xF7A;
	s5 =	simm.s32 @!p2 $0x0  }
0x1d: {  	s5 =	simm.s32 @p1 $0x1;
	p0 =	seq.s32 s7, s2  }
0x1e: {  	s7 =	smul.u32 @!p0 $0xF7A, s2;
	p2 =	seq.s32 @!p0 s5, $0x0  }
0x1f: {  	s9 =	smul.u32 $0xF7A, s1;
	s8 =	simm.s32 @!p0 $0x1BF5;
	p2 =	por !p2, p0  }
0x20: {  	[sflag:s8] =	ssyncset.s32 @!p0 $0xFFFFF086;
	s6 =	sadd.s32 @!p0 s3, s7;
	s7 =	simm.s32 @!p0 $0x108  }
0x21: {  	s3 =	sadd.s32 s3, s9;
	s6 =	sadd.s32 @!p0 $0x88, s6;
	s7 =	simm.s32 @p2 $0x1082  }
0x22: {  	[simem:s7], [sflag:s8] =	dma.local @!p0 [hbm:s6], $0xF7A  }
0x23: {  	s9 =	sor.u32 $0xD0000000, s2;
	s6 =	simm.s32 $0x108;
	_ =	swait.ge @!p0 [sflag:s8], $0x0  }
0x24: {  	s3 =	sadd.s32 $0x88, s3;
	s6 =	simm.s32 @!p1 $0x1082;
	[sflag:s4] =	ssyncset.s32 $0xFFFFF086  }
0x25: {  	[simem:s6], [sflag:s4] =	dma.local [hbm:s3], $0xF7A  }
0x26: {  	[smem:$0x3F9F] =	sst s1;
	(tag) =	ssettag s2;
	_ =	strace s9  }
0x27: {  	s1 =	sld [smem:$0x3FAF]  }
0x28: {  	s2 =	sld [smem:$0x3FB0]  }
0x29: {  	s4 =	sld [smem:$0x3FB2]  }
0x2a: {  	p0 =	seq.s32 s5, $0x0;
	s5 =	sld [smem:$0x3FB3]  }
0x2b: {  	s6 =	sld [smem:$0x3FB4]  }
0x2c: {  	s7 =	sld [smem:$0x3FB5]  }
0x2d: {  	s3 =	simm.s32 $0x108;
	s8 =	sld [smem:$0x3FB6]  }
0x2e: {  	s3 =	simm.s32 @!p0 $0x1082;
	s9 =	sld [smem:$0x3FB7]  }
0x2f: {  	lr =	sadd.s32 s0, s3;
	s0 =	sld [smem:$0x3FAE]  }
0x30: {  	s3 =	sld [smem:$0x3FB1]  }
0x31: {  	[smem:$0x3FBA] =	sst s10  }
0x32: {  	s10 =	sld [smem:$0x3FB8];
	_ =	sdelay $0x3  }
0x33: {  	p0 =	seq.s32 s10, $0x1;
	s10 =	sld [smem:$0x3FBA];
	_ =	sdelay $0x3  }
0x34: {  	[smem:$0x3FBA] =	sst s10  }
0x35: {  	s10 =	sld [smem:$0x3FB9];
	_ =	sdelay $0x3  }
0x36: {  	p1 =	seq.s32 s10, $0x1;
	s10 =	sld [smem:$0x3FBA];
	_ =	sdelay $0x3  }
0x37: {  	[smem:$0x3FBA] =	sst s10  }
0x38: {  	s10 =	sld [smem:$0x3FBB]  }
0x39: {  	_ = 	snop;
	(pc) =	sbr.ind lr, $3  }
0x3a: {  	_ = 	snop  }
0x3b: {  	_ = 	snop  }
0x3c: {  	p2 =	seq.s32 s10, $0x1;
	s10 =	sld [smem:$0x3FBA]  }
0x3d: {  	_ =	shalt  }
0x3e: {  	_ =	shalt  }
0x3f: {  	_ =	shalt  }
0x40: {  	_ =	shalt  }
0x41: {  	_ =	shalt  }
0x42: {  	_ =	shalt  }
0x43: {  	_ =	shalt  }
0x44: {  	_ =	shalt  }
0x45: {  	_ =	shalt  }
0x46: {  	_ =	shalt  }
0x47: {  	_ =	shalt  }
0x48: {  	_ =	shalt  }
0x49: {  	_ =	shalt  }
0x4a: {  	_ =	shalt  }
0x4b: {  	_ =	shalt  }
0x4c: {  	_ =	shalt  }
0x4d: {  	_ =	shalt  }
0x4e: {  	_ =	shalt  }
0x4f: {  	_ =	shalt  }
0x50: {  	_ =	shalt  }
0x51: {  	_ =	shalt  }
0x52: {  	_ =	shalt  }
0x53: {  	_ =	shalt  }
0x54: {  	_ =	shalt  }
0x55: {  	_ =	shalt  }
0x56: {  	_ =	shalt  }
0x57: {  	_ =	shalt  }
0x58: {  	_ =	shalt  }
0x59: {  	_ =	shalt  }
0x5a: {  	_ =	shalt  }
0x5b: {  	_ =	shalt  }
0x5c: {  	_ =	shalt  }
0x5d: {  	_ =	shalt  }
0x5e: {  	_ =	shalt  }
0x5f: {  	_ =	shalt  }
0x60: {  	_ =	shalt  }
0x61: {  	_ =	shalt  }
0x62: {  	_ =	shalt  }
0x63: {  	_ =	shalt  }
0x64: {  	_ =	shalt  }
0x65: {  	_ =	shalt  }
0x66: {  	_ =	shalt  }
0x67: {  	_ =	shalt  }
0x68: {  	_ =	shalt  }
0x69: {  	_ =	shalt  }
0x6a: {  	_ =	shalt  }
0x6b: {  	_ =	shalt  }
0x6c: {  	_ =	shalt  }
0x6d: {  	_ =	shalt  }
0x6e: {  	_ =	shalt  }
0x6f: {  	_ =	shalt  }
0x70: {  	_ =	shalt  }
0x71: {  	_ =	shalt  }
0x72: {  	_ =	shalt  }
0x73: {  	_ =	shalt  }
0x74: {  	_ =	shalt  }
0x75: {  	_ =	shalt  }
0x76: {  	_ =	shalt  }
0x77: {  	_ =	shalt  }
0x78: {  	_ =	shalt  }
0x79: {  	_ =	shalt  }
0x7a: {  	_ =	shalt  }
0x7b: {  	_ =	shalt  }
0x7c: {  	_ =	shalt  }
0x7d: {  	_ =	shalt  }
0x7e: {  	_ =	shalt  }
0x7f: {  	_ =	shalt  }
0x80: {  	_ =	shalt  }
0x81: {  	_ =	shalt  }
0x82: {  	_ =	shalt  }
0x83: {  	_ =	shalt  }
0x84: {  	_ =	shalt  }
0x85: {  	_ =	shalt  }
0x86: {  	_ =	shalt  }
0x87: {  	_ =	shalt  }
.Lfunc_end0:
.L_simem_size_0:
called_computation_lowered:
.L_overlay_start_0:
0x88: {  	s2 =	sld [smem:$0x3FD9]  }
0x89: {  	s3 =	sld [smem:$0x3FFE];
	_ =	sdelay $0x1  }
0x8a: {  	s1 =	srdreg.scid  }
0x8b: {  	s0 =	sand.u32 $0x1, s1  }
0x8c: {  	s17 =	sshll.u32 s0, $0xA;
	s2 =	sadd.s32 s3, s2  }
0x8d: {  	s2 =	sadd.s32 s2, s17  }
0x8e: {  	[smem:$0x3FC6] =	sst s2  }
0x8f: {  	_ = 	snop  }
0x90: {  	s2 =	sld [smem:$0x3FD0];
	(tm) =	ssettm $0x1  }
0x91: {  	s18 =	sld [smem:$0x3FFB];
	_ =	sdelay $0x3  }
0x92: {  	_ =	strace s18  }
0x93: {  	s3 =	sld [smem:$0x3FFC];
	_ =	sdelay $0x3  }
0x94: {  	_ =	strace s3  }
0x95: {  	s3 =	sld [smem:$0x3FFD];
	_ =	sdelay $0x3  }
0x96: {  	_ =	strace s3  }
0x97: {  	_ =	strace $0x8FFFFFFF  }
0x98: {  	s19 =	sld [smem:$0x3FDB];
	_ =	sdelay $0x1  }
0x99: {  	s4 =	simm.s32 $_scs_section_size  }
0x9a: {  	s5 =	simm.s32 $_size__tile_overlayer_lowered;
	s6 =	simm.s32 $_tile_overlayer_lowered  }
0x9b: {  	s22 =	simm.s32 $0x1BFF;
	s21 =	sshll.u32 s6, $0x1;
	s3 =	sadd.s32 s4, s19  }
0x9c: {  	s7 =	simm.s32 $0x0;
	s20 =	sshll.u32 s5, $0x1;
	s5 =	sadd.s32 s21, s3  }
0x9d: {  	[timem:s7], [sflag:s22] =	dma.local [hbm:s5], s20  }
0x9e: {  	_ =	swait.ge [sflag:s22], s20  }
0x9f: {  	s4 =	ssub.s32 $0x0, s20;
	[sflag:s22] =	ssyncset.done $0x0  }
0xa0: {  	[sflag:s22] =	ssyncadd.s32 s4;
	_ =	sdelay $0x1  }
0xa1: {  	s23 =	simm.s32 $0x1B8B  }
0xa2: {  	_ =	swait.ge [sflag:s23], $0x1  }
0xa3: {  	[sflag:s23] =	ssyncset.done $0x0  }
0xa4: {  	s25 =	simm.s32 $0x1B8E;
	s24 =	sld [smem:$0x3FFE];
	[sflag:s23] =	ssyncadd.s32 $0xFFFFFFFF  }
0xa5: {  	s26 =	simm.s32 $execute0_lowered;
	[smem:$0x3FD2] =	sst s25  }
0xa6: {  	s5 =	sshll.u32 s26, $0x1;
	_ =	strace $0x80000046;
	[dreg:$0x1] =	wrdreg $0xFFFFFFFF  }
0xa7: {  	s28 =	simm.s32 $_size_execute0_lowered;
	s3 =	sadd.s32 s3, s5;
	[dreg:$0x0] =	wrdreg $0x0  }
0xa8: {  	s5 =	sshll.u32 s28, $0x1;
	[dreg:$0x2] =	wrdreg s3  }
0xa9: {  	[dreg:$0x3] =	wrdreg s5  }
0xaa: {  	[dreg:$0x4] =	wrdreg $0xC0  }
0xab: {  	_ =	task [dreg:s7], $0x5FFFF  }
0xac: {  	[dreg:$0x1] =	wrdreg $0xFFFFFFFF  }
0xad: {  	[dreg:$0x0] =	wrdreg $0x60  }
0xae: {  	[dreg:$0x2] =	wrdreg s2  }
0xaf: {  	[dreg:$0x3] =	wrdreg s24  }
0xb0: {  	[dreg:$0x4] =	wrdreg $0x9  }
0xb1: {  	_ =	task.clear_ibuf [dreg:s7], $0x5FFFF;
	_ =	strace $0x90000046  }
0xb2: {  	s29 =	simm.s32 $0x9;
	_ =	strace $0x80000048  }
0xb3: {  	_ =	swait.ge [sflag:s29], $0x1  }
0xb4: {  	[sflag:s29] =	ssyncadd.s32 $0xFFFFFFFF  }
0xb5: {  	_ =	strace $0x90000048  }
0xb6: {  	_ =	sfence  }
0xb7: {  	s30 =	sld [smem:$0x0];
	_ =	sdelay $0x2  }
0xb8: {  	s31 =	sshll.u32 s1, $0xD;
	s1 =	sshrl.u32 s1, $0x2  }
0xb9: {  	s3 =	sand.u32 $0x4000, s31;
	s1 =	sadd.s32 s1, s30  }
0xba: {  	s0 =	sor.u32 s3, s0;
	s1 =	sshll.u32 s1, $0x11  }
0xbb: {  	s0 =	sor.u32 s1, s0  }
0xbc: {  	s0 =	sadd.s32 $0x8F2B, s0  }
0xbd: {  	[sflag:s0] =	ssyncadd.remote.s32 $0x1  }
0xbe: {  	_ =	sfence.sel $0xFFFF  }
0xbf: {  	[dreg:$0x0] =	wrdreg $0xFFFFFFFF;
	(pc) =	sbr.abs _section_cstart, $3  }
0xc0: {  	[dreg:$0x1] =	wrdreg $0xFFFFFFFF  }
0xc1: {  	_ =	task.clear_ibuf [dreg:s7], $0x2FFFF;
	_ =	strace $0x9FFFFFFF  }
0xc2: {  	(tm) =	ssettm $0x7FFFFFFF  }
0xc3: {  	_ =	shalt  }
tec
execute0_lowered:
.L_overlay_start_1:
0x0: {  	(tag) =	ssettag $0x1  }
0x1: {  	s2 =	rddreg [dreg:$0x0];
	s1 =	srdreg.scid  }
0x2: {  	s0 =	stileid.u32;
	s5 =	rddreg [dreg:$0x1]  }
0x3: {  	s3 =	simm.s32 $0x0;
	s12 =	simm.s32 $0x320;
	s13 =	simm.s32 $0x5  }
0x4: {  	s14 =	simm.s32 $0x640;
	s15 =	simm.s32 $0x6;
	s16 =	simm.s32 $0x6A40  }
0x5: {  	s17 =	simm.s32 $0x1;
	s18 =	simm.s32 $0xCE40;
	s19 =	simm.s32 $0x2  }
0x6: {  	s20 =	simm.s32 $0x16440;
	s21 =	simm.s32 $0x3;
	s22 =	simm.s32 $0x4  }
0x7: {  	s6 =	sand.u32 $0x1, s1;
	s4 =	sshll.u32 s0, $0x1;
	[smem:$0x7FF] =	sst s3  }
0x8: {  	s23 =	simm.s32 $0x0;
	s7 =	sor.u32 s6, s4;
	_ =	strace $0x80000047  }
0x9: {  	v0 =	vlaneseq.u32;
	s4 =	sadd.s32 $0xF42A00, s5;
	s9 =	ssub.s32 $0x2, s6;
	s8 =	smul.u32 $0xC80, s7  }
0xa: {  	v0 =	vmul.u32 $0x18, v0;
	s5 =	sadd.s32 $0x600, s5;
	s10 =	sshrl.u32 s9, $0x1;
	s7 =	sshll.u32 s7, $0x9  }
0xb: {  	s11 =	ssub.s32 s9, s10;
	s9 =	sor.u32 $0x20, s7;
	s6 =	sadd.s32 s2, s8  }
0xc: {  	v1 =	vadd.s32 $0x180, v0;
	s10 =	sor.u32 $0x30, s7;
	s11 =	smax.u32 s11, $0x1;
	s8 =	sadd.s32 $0x64, s6  }
.LBB2_1:
0xd: {  	[tilespmem:s3], [sflag:$0x5] =	stream.linear.gather [hbm4b:s6+s3], $0x320, $0x38;
	[tilespmem:$0x1FA40] =	vst v63  }
0xe: {  	_ = 	snop  }
0xf: {  	[tilespmem:s12], [sflag:$0x6] =	stream.linear.gather [hbm4b:s8+s3], $0x320, $0x38;
	[tilespmem:$0x1FA40] =	vst v63  }
0x10: {  	_ =	swait.ge [sflag:s13], $0x320  }
0x11: {  	[sflag:s13] =	ssyncset.done $0x0  }
0x12: {  	[sflag:s13] =	ssyncadd.s32 $0xFFFFFCE0  }
0x13: {  	[tilespmem:s14], [sflag:$0x1] =	stream.indirect.gather [hbm4b:s4+s12], $0x20, s3, s12, $0xb8;
	[tilespmem:$0x1FA40] =	vst v63  }
0x14: {  	_ =	swait.ge [sflag:s15], $0x320  }
0x15: {  	[sflag:s15] =	ssyncset.done $0x0  }
0x16: {  	s24 =	simm.s32 $0x0;
	[sflag:s15] =	ssyncadd.s32 $0xFFFFFCE0  }
0x17: {  	[tilespmem:s16], [sflag:$0x2] =	stream.indirect.gather [hbm4b:s4+s12], $0x20, s12, s12, $0xb8;
	[tilespmem:$0x1FA40] =	vst v63  }
.LBB2_2:
0x18: {  	s25 =	sshll.u32 s24, $0x5;
	p0 =	seq.s32 s24, $0xF  }
0x19: {  	s26 =	sadd.s32 @!p0 s25, s9;
	p1 =	seq.s32 @!p0 s24, $0x0  }
0x1a: {  	s26 =	smul.u32 @!p0 $0x32, s26;
	p1 =	por p0, !p1  }
.Ltmp0:
0x1b: {  	_ = 	snop;
	(pc) =	sbr.rel @!p1 .LBB2_3-.Ltmp0, $4  }
0x1c: {  	_ =	swait.ge [sflag:s17], $0x6400  }
0x1d: {  	[sflag:s17] =	ssyncset.done $0x0;
	s26 =	sshrl.u32 @!p0 s26, $0x3  }
0x1e: {  	s28 =	simm.s32 @!p0 $0x0;
	[sflag:s17] =	ssyncadd.s32 $0xFFFF9C00;
	s26 =	sadd.s32 @!p0 s2, s26  }
0x1f: {  	[tilespmem:s28], [sflag:$0x5] =	stream.linear.gather @!p0 [hbm4b:s26+s28], $0x320, $0x38;
	[tilespmem:$0x1FA40] =	vst v63  }
.Ltmp1:
0x20: {  	(pc) =	sbr.rel .LBB2_5-.Ltmp1, $4  }
0x21: {  	_ = 	snop  }
0x22: {  	_ =	swait.ge [sflag:s21], $0x6400  }
0x23: {  	[sflag:s21] =	ssyncset.done $0x0  }
0x24: {  	p1 =	por $0x0, $0x0;
	[sflag:s21] =	ssyncadd.s32 $0xFFFF9C00  }
.LBB2_3:
0x25: {  	p1 =	por @!p0 $0x1, $0x1  }
.LBB2_5:
0x26: {  	s28 =	simm.s32 $0x0  }
0x27: {  	s26 =	smulhi.u32 $0x51EB851F, s28;
	_ =	sdelay $0x1  }
0x28: {  	s26 =	sshrl.u32 s26, $0x4  }
0x29: {  	s26 =	smul.u32 $0x640, s26  }
0x2a: {  	s29 =	sand.u32 $0xFFFE, s28  }
0x2b: {  	s29 =	sshrl.u32 s29, $0x1;
	s26 =	ssub.s32 $0x0, s26  }
0x2c: {  	s29 =	smul.u32 $0x147B, s29;
	v2 =	vmov s26  }
0x2d: {  	v2 =	vmul.u32 $0x18, v2  }
0x2e: {  	s1 =	sshrl.u32 s29, $0x11  }
0x2f: {  	v3 =	vmov s1;
	v2 =	vbroadcast v2, $0x0  }
0x30: {  	v4 =	vand.u32 $0x18, v3  }
0x31: {  	s29 =	simm.s32 $0x1;
	v3 =	vand.u32 $0x7, v3;
	v2 =	vor.u32 v4, v2  }
0x32: {  	s30 =	simm.s32 $0x2;
	s31 =	smulhi.u32 $0x51EB851F, s29;
	s26 =	simm.s32 $0x650;
	v2 =	vor.u32 v3, v2  }
.LBB2_6:
0x33: {  	p2 =	sne.s32 s30, $0x31F;
	v3 =	vld [tilespmem:s26+$0xFFFFFFF0];
	v4 =	vadd.s32 v0, v2  }
0x34: {  	s31 =	sshrl.u32 s31, $0x4  }
0x35: {  	s31 =	smul.u32 $0x640, s31  }
0x36: {  	s1 =	sand.u32 $0xFFFE, s29;
	s28 =	sadd.s32 $0x20, s28;
	s29 =	smov.u32 s30  }
0x37: {  	s1 =	sshrl.u32 s1, $0x1;
	s31 =	ssub.s32 s28, s31  }
0x38: {  	s1 =	smul.u32 $0x147B, s1;
	v5 =	vmov s31;
	[tilespmem:v4+s18+$0x0] =	vst.idx.msk $0xffff, v3  }
0x39: {  	v3 =	vmul.u32 $0x18, v5;
	v4 =	vld [tilespmem:s26+$0x0];
	v5 =	vadd.s32 v1, v2  }
.Ltmp2:
0x3a: {  	s1 =	sshrl.u32 s1, $0x11;
	(pc) =	sbr.rel @p2 .LBB2_6-.Ltmp2, $4  }
0x3b: {  	v2 =	vmov s1;
	v3 =	vbroadcast v3, $0x0  }
0x3c: {  	v6 =	vand.u32 $0x18, v2  }
0x3d: {  	v2 =	vand.u32 $0x7, v2;
	v3 =	vor.u32 v6, v3  }
0x3e: {  	s30 =	sadd.s32 $0x1, s30;
	s31 =	smulhi.u32 $0x51EB851F, s29;
	s26 =	sadd.s32 $0x20, s26;
	v2 =	vor.u32 v2, v3;
	[tilespmem:v5+s18+$0x0] =	vst.idx.msk $0xffff, v4  }
0x3f: {  	v3 =	vld [tilespmem:s26+$0xFFFFFFF0];
	v4 =	vadd.s32 v0, v2  }
0x40: {  	s1 =	sshrl.u32 s31, $0x4  }
0x41: {  	s1 =	smul.u32 $0x640, s1  }
0x42: {  	s29 =	sand.u32 $0xFFFE, s29;
	s28 =	sadd.s32 $0x20, s28  }
0x43: {  	s1 =	ssub.s32 s28, s1;
	s28 =	sshrl.u32 s29, $0x1  }
0x44: {  	s28 =	smul.u32 $0x147B, s28;
	v5 =	vmov s1;
	[tilespmem:v4+s18+$0x0] =	vst.idx.msk $0xffff, v3  }
0x45: {  	v2 =	vadd.s32 v1, v2;
	v3 =	vmul.u32 $0x18, v5;
	v4 =	vld [tilespmem:s26+$0x0]  }
0x46: {  	s31 =	sshrl.u32 s28, $0x11  }
0x47: {  	v62 =	vmov s31;
	v3 =	vbroadcast v3, $0x0  }
0x48: {  	v6 =	vand.u32 $0x18, v62  }
0x49: {  	v5 =	vand.u32 $0x7, v62;
	v3 =	vor.u32 v6, v3  }
0x4a: {  	s26 =	sadd.s32 $0x20, s26;
	v3 =	vor.u32 v5, v3;
	[tilespmem:v2+s18+$0x0] =	vst.idx.msk $0xffff, v4  }
0x4b: {  	v2 =	vld [tilespmem:s26+$0xFFFFFFF0];
	v63 =	vadd.s32 v0, v3;
	_ =	sdelay $0x4  }
0x4c: {  	[tilespmem:v63+s18+$0x0] =	vst.idx.msk $0xffff, v2  }
0x4d: {  	v3 =	vadd.s32 v1, v3;
	v2 =	vld [tilespmem:s26+$0x0];
	_ =	sdelay $0x4  }
0x4e: {  	s1 =	simm.s32 @!p0 $0x5;
	[tilespmem:v3+s18+$0x0] =	vst.idx.msk $0xffff, v2  }
0x4f: {  	_ =	swait.ge @!p0 [sflag:s1], $0x320  }
0x50: {  	s30 =	sor.u32 s7, s25;
	s28 =	simm.s32 @!p0 $0x640;
	[sflag:s1] =	ssyncset.done @!p0 $0x0  }
0x51: {  	s26 =	simm.s32 @!p0 $0x0;
	[sflag:s1] =	ssyncadd.s32 @!p0 $0xFFFFFCE0;
	s1 =	simm.s32 @!p0 $0x320  }
0x52: {  	[tilespmem:s28], [sflag:$0x1] =	stream.indirect.gather @!p0 [hbm4b:s4+s1], $0x20, s26, s1, $0xb8;
	[tilespmem:$0x1FA40] =	vst v63  }
0x53: {  	s26 =	sshrl.u32 s30, $0x3  }
0x54: {  	s29 =	simm.s32 $0x60;
	s31 =	simm.s32 $0xCE40;
	s28 =	sadd.s32 s5, s26  }
0x55: {  	[hbm4b:s28+s3] =	stream.linear.scatter [tilespmem:s31], [sflag:$0x3], $0x10, $0x38;
	[tilespmem:$0x1FA40] =	vst v63  }
.LBB2_8:
0x56: {  	p2 =	sne.s32 s29, $0x257A0  }
.Ltmp3:
0x57: {  	_ = 	snop;
	(pc) =	sbr.rel @p2 .LBB2_8-.Ltmp3, $4  }
0x58: {  	_ = 	snop  }
0x59: {  	s1 =	sshra.s32 s29, $0x2;
	s29 =	sadd.s32 $0x60, s29  }
0x5a: {  	s28 =	sadd.s32 $0x800, s28;
	s1 =	sadd.s32 $0xCE40, s1  }
0x5b: {  	[hbm4b:s28+s3] =	stream.linear.scatter [tilespmem:s1], [sflag:$0x3], $0x10, $0x38;
	[tilespmem:$0x1FA40] =	vst v63  }
0x5c: {  	s28 =	simm.s32 $0x0  }
0x5d: {  	s1 =	smulhi.u32 $0x51EB851F, s28  }
0x5e: {  	s25 =	sadd.s32 @!p0 s25, s10  }
0x5f: {  	_ =	swait.ge [sflag:s19], $0x6400;
	s25 =	smul.u32 @!p0 $0x32, s25;
	s1 =	sshrl.u32 s1, $0x4  }
0x60: {  	[sflag:s19] =	ssyncset.done $0x0;
	s1 =	smul.u32 $0x640, s1  }
0x61: {  	s30 =	simm.s32 @!p0 $0x0;
	s29 =	sand.u32 $0xFFFE, s28;
	[sflag:s19] =	ssyncadd.s32 $0xFFFF9C00  }
0x62: {  	s29 =	sshrl.u32 s29, $0x1;
	s25 =	sshrl.u32 @!p0 s25, $0x3;
	s1 =	ssub.s32 $0x0, s1  }
0x63: {  	s29 =	smul.u32 $0x147B, s29;
	s25 =	sadd.s32 @!p0 s2, s25;
	v2 =	vmov s1;
	s1 =	simm.s32 @!p0 $0x320  }
0x64: {  	[tilespmem:s1], [sflag:$0x6] =	stream.linear.gather @!p0 [hbm4b:s25+s30], $0x320, $0x38;
	v2 =	vmul.u32 $0x18, v2;
	[tilespmem:$0x1FA40] =	vst v63  }
0x65: {  	s25 =	sshrl.u32 s29, $0x11  }
0x66: {  	s1 =	simm.s32 @!p1 $0x4;
	v3 =	vmov s25;
	v2 =	vbroadcast v2, $0x0  }
0x67: {  	_ =	swait.ge @!p1 [sflag:s1], $0x6400;
	v4 =	vand.u32 $0x18, v3  }
0x68: {  	s29 =	simm.s32 $0x1;
	s30 =	simm.s32 $0x2;
	[sflag:s1] =	ssyncset.done @!p1 $0x0;
	v3 =	vand.u32 $0x7, v3;
	v2 =	vor.u32 v4, v2  }
0x69: {  	s25 =	simm.s32 $0x6A40;
	s31 =	smulhi.u32 $0x51EB851F, s29;
	[sflag:s1] =	ssyncadd.s32 @!p1 $0xFFFF9C00;
	v2 =	vor.u32 v3, v2  }
.LBB2_10:
0x6a: {  	p1 =	sne.s32 s30, $0x31F;
	v3 =	vld [tilespmem:s25+$0x0];
	v4 =	vadd.s32 v0, v2  }
0x6b: {  	s1 =	sshrl.u32 s31, $0x4  }
0x6c: {  	s1 =	smul.u32 $0x640, s1  }
0x6d: {  	s28 =	sadd.s32 $0x20, s28;
	s31 =	sand.u32 $0xFFFE, s29;
	s29 =	smov.u32 s30  }
0x6e: {  	s31 =	sshrl.u32 s31, $0x1;
	s1 =	ssub.s32 s28, s1  }
0x6f: {  	s31 =	smul.u32 $0x147B, s31;
	v5 =	vmov s1;
	[tilespmem:v4+s20+$0x0] =	vst.idx.msk $0xffff, v3  }
0x70: {  	v3 =	vmul.u32 $0x18, v5;
	v4 =	vld [tilespmem:s25+$0x10];
	v5 =	vadd.s32 v1, v2  }
.Ltmp4:
0x71: {  	s1 =	sshrl.u32 s31, $0x11;
	(pc) =	sbr.rel @p1 .LBB2_10-.Ltmp4, $4  }
0x72: {  	v2 =	vmov s1;
	v3 =	vbroadcast v3, $0x0  }
0x73: {  	v6 =	vand.u32 $0x18, v2  }
0x74: {  	v2 =	vand.u32 $0x7, v2;
	v3 =	vor.u32 v6, v3  }
0x75: {  	s30 =	sadd.s32 $0x1, s30;
	s31 =	smulhi.u32 $0x51EB851F, s29;
	s25 =	sadd.s32 $0x20, s25;
	v2 =	vor.u32 v2, v3;
	[tilespmem:v5+s20+$0x0] =	vst.idx.msk $0xffff, v4  }
0x76: {  	v3 =	vld [tilespmem:s25+$0x0];
	v4 =	vadd.s32 v0, v2  }
0x77: {  	s1 =	sshrl.u32 s31, $0x4  }
0x78: {  	s1 =	smul.u32 $0x640, s1  }
0x79: {  	s29 =	sand.u32 $0xFFFE, s29;
	s28 =	sadd.s32 $0x20, s28  }
0x7a: {  	s31 =	sshrl.u32 s29, $0x1;
	s1 =	ssub.s32 s28, s1  }
0x7b: {  	s28 =	smul.u32 $0x147B, s31;
	v5 =	vmov s1;
	[tilespmem:v4+s20+$0x0] =	vst.idx.msk $0xffff, v3  }
0x7c: {  	v2 =	vadd.s32 v1, v2;
	v3 =	vmul.u32 $0x18, v5;
	v4 =	vld [tilespmem:s25+$0x10]  }
0x7d: {  	s28 =	sshrl.u32 s28, $0x11  }
0x7e: {  	v62 =	vmov s28;
	v3 =	vbroadcast v3, $0x0  }
0x7f: {  	v6 =	vand.u32 $0x18, v62  }
0x80: {  	v5 =	vand.u32 $0x7, v62;
	v3 =	vor.u32 v6, v3  }
0x81: {  	s29 =	sadd.s32 $0x20, s25;
	v3 =	vor.u32 v5, v3;
	[tilespmem:v2+s20+$0x0] =	vst.idx.msk $0xffff, v4  }
0x82: {  	v2 =	vld [tilespmem:s29+$0x0];
	v63 =	vadd.s32 v0, v3;
	_ =	sdelay $0x4  }
0x83: {  	[tilespmem:v63+s20+$0x0] =	vst.idx.msk $0xffff, v2  }
0x84: {  	v3 =	vadd.s32 v1, v3;
	v2 =	vld [tilespmem:s29+$0x10];
	_ =	sdelay $0x4  }
0x85: {  	s1 =	simm.s32 @!p0 $0x6;
	[tilespmem:v3+s20+$0x0] =	vst.idx.msk $0xffff, v2  }
0x86: {  	_ =	swait.ge @!p0 [sflag:s1], $0x320  }
0x87: {  	s30 =	sadd.s32 s26, s5;
	[sflag:s1] =	ssyncset.done @!p0 $0x0  }
0x88: {  	s25 =	simm.s32 @!p0 $0x6A40;
	[sflag:s1] =	ssyncadd.s32 @!p0 $0xFFFFFCE0;
	s1 =	simm.s32 @!p0 $0x320  }
0x89: {  	[tilespmem:s25], [sflag:$0x2] =	stream.indirect.gather @!p0 [hbm4b:s4+s1], $0x20, s1, s1, $0xb8;
	[tilespmem:$0x1FA40] =	vst v63  }
0x8a: {  	s26 =	simm.s32 $0x60;
	s31 =	simm.s32 $0x16440;
	s25 =	sadd.s32 $0x2, s30  }
0x8b: {  	[hbm4b:s25+s3] =	stream.linear.scatter [tilespmem:s31], [sflag:$0x4], $0x10, $0x38;
	[tilespmem:$0x1FA40] =	vst v63  }
.LBB2_12:
0x8c: {  	p0 =	sne.s32 s26, $0x257A0  }
.Ltmp5:
0x8d: {  	_ = 	snop;
	(pc) =	sbr.rel @p0 .LBB2_12-.Ltmp5, $4  }
0x8e: {  	_ = 	snop  }
0x8f: {  	s1 =	sshra.s32 s26, $0x2;
	s26 =	sadd.s32 $0x60, s26  }
0x90: {  	s25 =	sadd.s32 $0x800, s25;
	s1 =	sadd.s32 $0x16440, s1  }
0x91: {  	[hbm4b:s25+s3] =	stream.linear.scatter [tilespmem:s1], [sflag:$0x4], $0x10, $0x38;
	[tilespmem:$0x1FA40] =	vst v63  }
0x92: {  	s24 =	sadd.s32 $0x1, s24  }
0x93: {  	p0 =	sne.s32 s24, $0x10  }
.Ltmp6:
0x94: {  	_ = 	snop;
	(pc) =	sbr.rel @p0 .LBB2_2-.Ltmp6, $1  }
0x95: {  	_ =	sdelay $0x3  }
0x96: {  	s23 =	sadd.s32 $0x1, s23  }
0x97: {  	_ =	swait.ge [sflag:s21], $0x6400;
	p0 =	sne.s32 s23, s11  }
.Ltmp7:
0x98: {  	[sflag:s21] =	ssyncset.done $0x0;
	(pc) =	sbr.rel @p0 .LBB2_1-.Ltmp7, $4  }
0x99: {  	[sflag:s21] =	ssyncadd.s32 $0xFFFF9C00  }
0x9a: {  	_ =	swait.ge [sflag:s22], $0x6400  }
0x9b: {  	[sflag:s22] =	ssyncset.done $0x0  }
0x9c: {  	[sflag:s22] =	ssyncadd.s32 $0xFFFF9C00  }
0x9d: {  	_ =	sfence.sel $0x180000  }
0x9e: {  	[bflag:$0x0] =	sbarrier.arrive $0xFFFF  }
0x9f: {  	_ =	strace $0x90000047  }
0xa0: {  	[bflag:$0x2] =	sbarrier.arrive $0xFFFF  }
0xa1: {  	p0 =	sne.s32 s0, $0x0;
	s0 =	rddreg [dreg:$0x2]  }
0xa2: {  	s0 =	sadd.s32 @!p0 $0x100000, s0  }
0xa3: {  	[sflag:s0] =	ssyncadd.tile.s32 @!p0 $0x1;
	_ =	shalt  }
.Lfunc_end2:
_tile_overlayer_lowered:
.L_overlay_start_2:
0xa4: {  	(tag) =	ssettag $0x2  }
0xa5: {  	s0 =	rddreg [dreg:$0x0];
	s2 =	stileid.u32  }
0xa6: {  	s1 =	rddreg [dreg:$0x1];
	p0 =	sne.s32 s2, $0x0  }
0xa7: {  	s3 =	rddreg [dreg:$0x2];
	[bflag:$0x3] =	sbarrier.arrive $0xFFFF;
	s2 =	simm.s32 @!p0 $0x1C07  }
0xa8: {  	[timem:s3], [sflag:s2] =	dma.local @!p0 [hbm:s0], s1  }
0xa9: {  	s0 =	simm.s32 @!p0 $0x7  }
0xaa: {  	_ =	swait.ge @!p0 [sflag:s0], s1  }
0xab: {  	s1 =	ssub.s32 @!p0 $0x0, s1;
	[sflag:s0] =	ssyncset.done @!p0 $0x0  }
0xac: {  	[sflag:s0] =	ssyncadd.s32 @!p0 s1  }
0xad: {  	[bflag:$0x3] =	sbarrier.arrive $0xFFFF  }
0xae: {  	_ =	shalt  }

</sc_bundles>
